<compile_context>
chip_gen: v7x
topology: tpu7x:2x2x1
jax: 0.10.2.dev20260603
libtpu: 0.0.44.dev20260713+nightly
codegen_flags: <defaults>
</compile_context>

<pallas_src>
import functools

import jax
import jax.numpy as jnp
from jax import lax
from jax.experimental import pallas as pl
from jax.experimental.pallas import tpu as pltpu
from jax.experimental.pallas import tpu_sc as plsc

N = 10000
E = 320000
D = 128
C = 64
EPS = 1e-5

NC = 2
NS = 16
NW = NC * NS

CH = 128
NCHT = 80
E_PAD = NW * CH * NCHT
EPT = E_PAD // NW
DEG_NCH = EPT // CH
RPT = 640
N_ACC = NS * RPT
DW = 16


@functools.cache
def _sc_kernels():
    mesh = plsc.VectorSubcoreMesh(
        core_axis_name="c", subcore_axis_name="s", num_cores=NC, num_subcores=NS)

    @functools.partial(
        pl.kernel,
        out_type=jax.ShapeDtypeStruct((NC * N_ACC,), jnp.float32),
        mesh=mesh,
        scratch_types=[
            pltpu.VMEM((DEG_NCH, CH), jnp.int32),
            pltpu.VMEM((CH,), jnp.float32),
            pltpu.VMEM((RPT,), jnp.float32),
            pltpu.VMEM_SHARED((N_ACC,), jnp.float32),
        ],
    )
    def deg_sc(dst3_hbm, ones_hbm, zrow_hbm, out_hbm, dst_all, ones_v, stage_v, acc_sh):
        c = lax.axis_index("c")
        s = lax.axis_index("s")
        w = c * NS + s
        pltpu.sync_copy(dst3_hbm.at[pl.ds(w * DEG_NCH, DEG_NCH)], dst_all)
        pltpu.sync_copy(ones_hbm, ones_v)
        pltpu.sync_copy(zrow_hbm, stage_v)
        pltpu.sync_copy(stage_v, acc_sh.at[pl.ds(s * RPT, RPT)])
        plsc.subcore_barrier()

        def body(k, carry):
            pltpu.sync_copy(ones_v, acc_sh.at[dst_all.at[k]], add=True)
            return carry

        lax.fori_loop(0, DEG_NCH, body, 0)
        plsc.subcore_barrier()
        pltpu.sync_copy(acc_sh.at[pl.ds(s * RPT, RPT)], stage_v)
        pltpu.sync_copy(stage_v, out_hbm.at[pl.ds(c * N_ACC + s * RPT, RPT)])

    @functools.partial(
        pl.kernel,
        out_type=jax.ShapeDtypeStruct((NC * N_ACC, D), jnp.float32),
        mesh=mesh,
        scratch_types=[
            pltpu.VMEM((CH,), jnp.int32),
            pltpu.VMEM((CH,), jnp.int32),
            pltpu.VMEM((NCHT, CH), jnp.int32),
            pltpu.VMEM((CH, D), jnp.float32),
            pltpu.VMEM((CH, D), jnp.float32),
            pltpu.VMEM((32, D), jnp.float32),
            pltpu.VMEM_SHARED((N_ACC, D), jnp.float32),
            pltpu.SemaphoreType.DMA,
            pltpu.SemaphoreType.DMA,
            pltpu.SemaphoreType.DMA,
            pltpu.SemaphoreType.DMA,
        ],
    )
    def prop_sc(z_hbm, src_hbm, dst3_hbm, zrows_hbm, out_hbm,
                src_a, src_b, dst_all, rows_a, rows_b, stage_v, acc_sh,
                sem_a, sem_b, sem_sa, sem_sb):
        c = lax.axis_index("c")
        s = lax.axis_index("s")
        w = c * NS + s
        base_e = w * NCHT * CH
        pltpu.sync_copy(dst3_hbm.at[pl.ds(w * NCHT, NCHT)], dst_all)
        pltpu.sync_copy(src_hbm.at[pl.ds(base_e, CH)], src_a)
        pltpu.async_copy(z_hbm.at[src_a], rows_a, sem_a)
        pltpu.sync_copy(zrows_hbm, stage_v)

        def zbody(j, carry):
            pltpu.sync_copy(stage_v, acc_sh.at[pl.ds(s * RPT + j * 32, 32)])
            return carry

        lax.fori_loop(0, RPT // 32, zbody, 0)
        plsc.subcore_barrier()

        def pipe(nch):
            n2 = nch // 2

            def body(i, carry):
                k0 = 2 * i
                @pl.when(i > 0)
                def _():
                    pltpu.make_async_copy(
                        rows_b, acc_sh.at[dst_all.at[k0 - 1]], sem_sb).wait()

                pltpu.sync_copy(src_hbm.at[pl.ds(base_e + (k0 + 1) * CH, CH)], src_b)
                pltpu.async_copy(z_hbm.at[src_b], rows_b, sem_b)
                pltpu.make_async_copy(z_hbm.at[src_a], rows_a, sem_a).wait()
                pltpu.async_copy(rows_a, acc_sh.at[dst_all.at[k0]], sem_sa, add=True)
                pltpu.make_async_copy(z_hbm.at[src_b], rows_b, sem_b).wait()
                pltpu.async_copy(rows_b, acc_sh.at[dst_all.at[k0 + 1]], sem_sb, add=True)

                @pl.when(i + 1 < n2)
                def _():
                    pltpu.make_async_copy(
                        rows_a, acc_sh.at[dst_all.at[k0]], sem_sa).wait()
                    pltpu.sync_copy(src_hbm.at[pl.ds(base_e + (k0 + 2) * CH, CH)], src_a)
                    pltpu.async_copy(z_hbm.at[src_a], rows_a, sem_a)

                return carry

            lax.fori_loop(0, n2, body, 0)
            pltpu.make_async_copy(rows_a, acc_sh.at[dst_all.at[nch - 2]], sem_sa).wait()
            pltpu.make_async_copy(rows_b, acc_sh.at[dst_all.at[nch - 1]], sem_sb).wait()

        pipe(NCHT)

        plsc.subcore_barrier()
        pltpu.sync_copy(
            acc_sh.at[pl.ds(s * RPT, RPT)],
            out_hbm.at[pl.ds(c * N_ACC + s * RPT, RPT)],
        )

    return deg_sc, prop_sc



def _bn_relu(h, g, be):
    mu = jnp.mean(h, axis=0, keepdims=True)
    var = jnp.mean((h - mu) * (h - mu), axis=0, keepdims=True)
    return jnp.maximum((h - mu) * lax.rsqrt(var + EPS) * g + be, 0.0)


def _tc_in_body(x_ref, w_ref, b_ref, g_ref, be_ref, w0_ref, d0_ref, d1_ref,
                dinv_ref, z0_ref):
    h = jnp.dot(x_ref[...], w_ref[...], preferred_element_type=jnp.float32)
    h = _bn_relu(h + b_ref[...], g_ref[...], be_ref[...])
    dinv = lax.rsqrt(d0_ref[...] + d1_ref[...] + 1.0)
    dinv_ref[...] = dinv
    z0_ref[...] = jnp.dot(h, w0_ref[...], preferred_element_type=jnp.float32) * dinv


def _tc_mid_body(p_ref, z_ref, dinv_ref, b_ref, g_ref, be_ref, w_ref,
                 zn_ref):
    dinv = dinv_ref[...]
    acc = p_ref[:N, :] + p_ref[N_ACC:N_ACC + N, :] + z_ref[...]
    h = _bn_relu(acc * dinv + b_ref[...], g_ref[...], be_ref[...])
    zn_ref[...] = jnp.dot(h, w_ref[...], preferred_element_type=jnp.float32) * dinv


def _tc_out_body(p_ref, z_ref, dinv_ref, b_ref, wout_ref, bout_ref, y_ref):
    acc = p_ref[:N, :] + p_ref[N_ACC:N_ACC + N, :] + z_ref[...]
    h = acc * dinv_ref[...] + b_ref[...]
    y_ref[...] = jnp.dot(h, wout_ref[...], preferred_element_type=jnp.float32) + bout_ref[...]


_f32 = jnp.float32

_tc_in = pl.pallas_call(
    _tc_in_body,
    out_shape=(jax.ShapeDtypeStruct((N, 1), _f32),
               jax.ShapeDtypeStruct((N, D), _f32)),
)

_tc_mid = pl.pallas_call(
    _tc_mid_body,
    out_shape=jax.ShapeDtypeStruct((N, D), _f32),
)

_tc_out = pl.pallas_call(
    _tc_out_body,
    out_shape=jax.ShapeDtypeStruct((N, C), _f32),
)



def kernel(x, edge_index, W_in, b_in, g_in, be_in, W0, b0, g0, be0,
           W1, b1, g1, be1, W2, b2, W_out, b_out):
    pad = E_PAD - E
    pad_src = (jnp.arange(pad, dtype=edge_index.dtype) * 997) % N
    pad_dst = N + (jnp.arange(pad, dtype=edge_index.dtype) % (N_ACC - N))
    srcp = jnp.concatenate([edge_index[0], pad_src])
    dstp = jnp.concatenate([edge_index[1], pad_dst])

    ones1 = jnp.ones((CH,), _f32)
    z1d = jnp.zeros((RPT,), _f32)
    zrows = jnp.zeros((32, D), _f32)

    dst3i = dstp.reshape(E_PAD // CH, CH)
    _deg_sc, _prop_sc = _sc_kernels()
    degf = _deg_sc(dst3i, ones1, z1d)
    d0 = degf[:N].reshape(N, 1)
    d1 = degf[N_ACC:N_ACC + N].reshape(N, 1)

    dinv, z0 = _tc_in(x, W_in, b_in.reshape(1, D), g_in.reshape(1, D),
                      be_in.reshape(1, D), W0, d0, d1)

    p0 = _prop_sc(z0, srcp, dst3i, zrows)
    z1 = _tc_mid(p0, z0, dinv, b0.reshape(1, D), g0.reshape(1, D),
                 be0.reshape(1, D), W1)
    p1 = _prop_sc(z1, srcp, dst3i, zrows)
    z2 = _tc_mid(p1, z1, dinv, b1.reshape(1, D), g1.reshape(1, D),
                 be1.reshape(1, D), W2)
    p2 = _prop_sc(z2, srcp, dst3i, zrows)
    return _tc_out(p2, z2, dinv, b2.reshape(1, D), W_out, b_out.reshape(1, C))

# --- scband reference (transcript-rebuilt; emitter-appended) ---
"""Pipeline reference for scband-gpsnet-node-39402029973518 (READ-ONLY COPY).

The authoritative reference and input builder live on the scoring server;
editing this copy changes nothing except your own understanding.
"""

import jax, jax.numpy as jnp
import numpy as np

N = 10000
E = 320000
D = 128
C = 64
EPS = 1e-5

def setup_inputs(seed: int = 0) -> dict:
    key = jax.random.key(seed)
    ks = [jax.random.fold_in(key, i) for i in range(32)]
    inp = {}
    inp['x'] = jax.random.normal(ks[0], (N, D), dtype=jnp.float32)
    inp['edge_index'] = jax.random.randint(ks[1], (2, E), 0, N, dtype=jnp.int32)
    s = 1.0 / np.sqrt(D)
    inp['W_in'] = jax.random.uniform(ks[2], (D, D), jnp.float32, -s, s)
    inp['b_in'] = jnp.zeros((D,), jnp.float32)
    inp['g_in'] = jnp.ones((D,), jnp.float32)
    inp['be_in'] = jnp.zeros((D,), jnp.float32)
    inp['W0'] = jax.random.uniform(ks[3], (D, D), jnp.float32, -s, s)
    inp['b0'] = jnp.zeros((D,), jnp.float32)
    inp['g0'] = jnp.ones((D,), jnp.float32)
    inp['be0'] = jnp.zeros((D,), jnp.float32)
    inp['W1'] = jax.random.uniform(ks[4], (D, D), jnp.float32, -s, s)
    inp['b1'] = jnp.zeros((D,), jnp.float32)
    inp['g1'] = jnp.ones((D,), jnp.float32)
    inp['be1'] = jnp.zeros((D,), jnp.float32)
    inp['W2'] = jax.random.uniform(ks[5], (D, D), jnp.float32, -s, s)
    inp['b2'] = jnp.zeros((D,), jnp.float32)
    inp['W_out'] = jax.random.uniform(ks[6], (D, C), jnp.float32, -s, s)
    inp['b_out'] = jnp.zeros((C,), jnp.float32)
    return inp

def _bn(x, g, b):
    mu = jnp.mean(x, axis=0)
    var = jnp.var(x, axis=0)
    return (x - mu) / jnp.sqrt(var + EPS) * g + b

def _gcn(x, src, dst, W, b):
    xw = x @ W
    deg = jnp.zeros((N,), jnp.float32).at[dst].add(1.0)
    dinv = jnp.where(deg > 0, 1.0 / jnp.sqrt(deg), 0.0)
    norm = dinv[src] * dinv[dst]
    msg = xw[src] * norm[:, None]
    out = jnp.zeros((N, xw.shape[1]), jnp.float32).at[dst].add(msg)
    return out + b

def reference(x, edge_index, W_in, b_in, g_in, be_in, W0, b0, g0, be0, W1, b1, g1, be1, W2, b2, W_out, b_out):
    loop = jnp.arange(N, dtype=edge_index.dtype)
    src = jnp.concatenate([edge_index[0], loop])
    dst = jnp.concatenate([edge_index[1], loop])
    h = x @ W_in + b_in
    h = _bn(h, g_in, be_in)
    h = jax.nn.relu(h)
    h = _gcn(h, src, dst, W0, b0)
    h = _bn(h, g0, be0)
    h = jax.nn.relu(h)
    h = _gcn(h, src, dst, W1, b1)
    h = _bn(h, g1, be1)
    h = jax.nn.relu(h)
    h = _gcn(h, src, dst, W2, b2)
    return h @ W_out + b_out

if __name__ == "__main__":
    import jax
    _d = setup_inputs()
    print(jax.jit(kernel)(*tuple(_d.values())))

</pallas_src>

<mosaic_0001>
#map = affine_map<(d0, d1) -> (0, 0)>
#map1 = affine_map<(d0, d1) -> (0)>
module attributes {stable_mosaic.version = 14 : i64} {
  func.func @deg_sc(%arg0: i32, %arg1: i32, %arg2: memref<2560x128xi32, #tpu.memory_space<hbm>>, %arg3: memref<128xf32, #tpu.memory_space<hbm>>, %arg4: memref<640xf32, #tpu.memory_space<hbm>>, %arg5: memref<20480xf32, #tpu.memory_space<hbm>>, %arg6: memref<80x128xi32, #tpu.memory_space<vmem>>, %arg7: memref<128xf32, #tpu.memory_space<vmem>>, %arg8: memref<640xf32, #tpu.memory_space<vmem>>, %arg9: memref<10240xf32, #tpu.memory_space<vmem_shared>>) attributes {dimension_semantics = [#tpu.dimension_semantics<core_parallel>, #tpu.dimension_semantics<subcore_parallel>], iteration_bounds = array<i64: 2, 16>, scalar_prefetch = 0 : i64, scratch_operands = 4 : i64, tpu.core_type = #tpu.core_type<sc_vector_subcore>, window_params = [{transform_indices = #map}, {transform_indices = #map1}, {transform_indices = #map1}, {transform_indices = #map1}]} {
    %mul3A = arith.constant 16 : i32
    %mul3A_0 = arith.muli %arg0, %mul3A : i32
    %add3A = arith.addi %mul3A_0, %arg1 : i32
    %mul3A_1 = arith.constant 80 : i32
    %mul3A_2 = arith.muli %add3A, %mul3A_1 : i32
    "tpu.region"() ({
      %run_scoped3A = tpu.sem_alloc : memref<!tpu.dma_semaphore, #tpu.memory_space<semaphore_mem>>
      %dma_start3A = arith.constant 0 : i32
      %dma_start3A_18 = tpu.memref_slice %arg2[%mul3A_2, %dma_start3A] : memref<2560x128xi32, #tpu.memory_space<hbm>> -> memref<80x128xi32, #tpu.memory_space<hbm>>
      %dma_start3A_19 = arith.constant 0 : i32
      %dma_start3A_20 = tpu.memref_slice %arg2[%mul3A_2, %dma_start3A_19] : memref<2560x128xi32, #tpu.memory_space<hbm>> -> memref<80x128xi32, #tpu.memory_space<hbm>>
      tpu.enqueue_dma source(%dma_start3A_20 : memref<80x128xi32, #tpu.memory_space<hbm>>) target(%arg6 : memref<80x128xi32, #tpu.memory_space<vmem>>) target_semaphore(%run_scoped3A : memref<!tpu.dma_semaphore, #tpu.memory_space<semaphore_mem>>)
      %dma_wait3A = arith.constant 0 : i32
      %dma_wait3A_21 = tpu.memref_slice %arg2[%mul3A_2, %dma_wait3A] : memref<2560x128xi32, #tpu.memory_space<hbm>> -> memref<80x128xi32, #tpu.memory_space<hbm>>
      %dma_wait3A_22 = arith.constant 0 : i32
      %dma_wait3A_23 = tpu.memref_slice %arg2[%mul3A_2, %dma_wait3A_22] : memref<2560x128xi32, #tpu.memory_space<hbm>> -> memref<80x128xi32, #tpu.memory_space<hbm>>
      tpu.wait_dma2 semaphore(%run_scoped3A : memref<!tpu.dma_semaphore, #tpu.memory_space<semaphore_mem>>) src(%dma_wait3A_23 : memref<80x128xi32, #tpu.memory_space<hbm>>) dst(%arg6 : memref<80x128xi32, #tpu.memory_space<vmem>>)
      tpu.yield
    }) : () -> ()
    "tpu.region"() ({
      %run_scoped3A = tpu.sem_alloc : memref<!tpu.dma_semaphore, #tpu.memory_space<semaphore_mem>>
      tpu.enqueue_dma source(%arg3 : memref<128xf32, #tpu.memory_space<hbm>>) target(%arg7 : memref<128xf32, #tpu.memory_space<vmem>>) target_semaphore(%run_scoped3A : memref<!tpu.dma_semaphore, #tpu.memory_space<semaphore_mem>>)
      tpu.wait_dma2 semaphore(%run_scoped3A : memref<!tpu.dma_semaphore, #tpu.memory_space<semaphore_mem>>) src(%arg3 : memref<128xf32, #tpu.memory_space<hbm>>) dst(%arg7 : memref<128xf32, #tpu.memory_space<vmem>>)
      tpu.yield
    }) : () -> ()
    "tpu.region"() ({
      %run_scoped3A = tpu.sem_alloc : memref<!tpu.dma_semaphore, #tpu.memory_space<semaphore_mem>>
      tpu.enqueue_dma source(%arg4 : memref<640xf32, #tpu.memory_space<hbm>>) target(%arg8 : memref<640xf32, #tpu.memory_space<vmem>>) target_semaphore(%run_scoped3A : memref<!tpu.dma_semaphore, #tpu.memory_space<semaphore_mem>>)
      tpu.wait_dma2 semaphore(%run_scoped3A : memref<!tpu.dma_semaphore, #tpu.memory_space<semaphore_mem>>) src(%arg4 : memref<640xf32, #tpu.memory_space<hbm>>) dst(%arg8 : memref<640xf32, #tpu.memory_space<vmem>>)
      tpu.yield
    }) : () -> ()
    %mul3A_3 = arith.constant 640 : i32
    %mul3A_4 = arith.muli %arg1, %mul3A_3 : i32
    "tpu.region"() ({
      %run_scoped3A = tpu.sem_alloc : memref<!tpu.dma_semaphore, #tpu.memory_space<semaphore_mem>>
      %dma_start3A = tpu.memref_slice %arg9[%mul3A_4] : memref<10240xf32, #tpu.memory_space<vmem_shared>> -> memref<640xf32, #tpu.memory_space<vmem_shared>>
      %dma_start3A_18 = tpu.memref_slice %arg9[%mul3A_4] : memref<10240xf32, #tpu.memory_space<vmem_shared>> -> memref<640xf32, #tpu.memory_space<vmem_shared>>
      tpu.enqueue_dma source(%arg8 : memref<640xf32, #tpu.memory_space<vmem>>) target(%dma_start3A_18 : memref<640xf32, #tpu.memory_space<vmem_shared>>) target_semaphore(%run_scoped3A : memref<!tpu.dma_semaphore, #tpu.memory_space<semaphore_mem>>)
      %dma_wait3A = tpu.memref_slice %arg9[%mul3A_4] : memref<10240xf32, #tpu.memory_space<vmem_shared>> -> memref<640xf32, #tpu.memory_space<vmem_shared>>
      %dma_wait3A_19 = tpu.memref_slice %arg9[%mul3A_4] : memref<10240xf32, #tpu.memory_space<vmem_shared>> -> memref<640xf32, #tpu.memory_space<vmem_shared>>
      tpu.wait_dma2 semaphore(%run_scoped3A : memref<!tpu.dma_semaphore, #tpu.memory_space<semaphore_mem>>) src(%arg8 : memref<640xf32, #tpu.memory_space<vmem>>) dst(%dma_wait3A_19 : memref<640xf32, #tpu.memory_space<vmem_shared>>)
      tpu.yield
    }) : () -> ()
    %barrier3A = arith.constant 0 : index
    tpu.barrier barrier_id(%barrier3A)
    %scan3A = arith.constant 0 : i32
    %scan3A_5 = arith.constant 0 : i32
    %scan3A_6 = arith.constant 80 : i32
    %scan3A_7 = arith.addi %scan3A_5, %scan3A_6 : i32
    %scan3A_8 = arith.constant 1 : i32
    scf.for %scan3A_18 = %scan3A_5 to %scan3A_7 step %scan3A_8  : i32 {
      "tpu.region"() ({
        %run_scoped3A = tpu.sem_alloc : memref<!tpu.dma_semaphore, #tpu.memory_space<semaphore_mem>>
        %dma_start3A = arith.constant 0 : i32
        %dma_start3A_19 = tpu.memref_slice %arg6[%scan3A_18, %dma_start3A] : memref<80x128xi32, #tpu.memory_space<vmem>> -> memref<1x128xi32, #tpu.memory_space<vmem>>
        %dma_start3A_20 = tpu.memref_squeeze %dma_start3A_19 : memref<1x128xi32, #tpu.memory_space<vmem>> -> memref<128xi32, #tpu.memory_space<vmem>>
        %dma_start3A_21 = arith.constant 0 : i32
        %dma_start3A_22 = tpu.memref_slice %arg9[%dma_start3A_21] : memref<10240xf32, #tpu.memory_space<vmem_shared>> -> memref<10240xf32, #tpu.memory_space<vmem_shared>>
        tpu.enqueue_indirect_dma source(%arg7 : memref<128xf32, #tpu.memory_space<vmem>>) target(%dma_start3A_22 : memref<10240xf32, #tpu.memory_space<vmem_shared>>) offsets(%dma_start3A_20 : memref<128xi32, #tpu.memory_space<vmem>>) semaphore(%run_scoped3A : memref<!tpu.dma_semaphore, #tpu.memory_space<semaphore_mem>>) {add = true}
        %dma_wait3A = arith.constant 0 : i32
        %dma_wait3A_23 = tpu.memref_slice %arg6[%scan3A_18, %dma_wait3A] : memref<80x128xi32, #tpu.memory_space<vmem>> -> memref<1x128xi32, #tpu.memory_space<vmem>>
        %dma_wait3A_24 = tpu.memref_squeeze %dma_wait3A_23 : memref<1x128xi32, #tpu.memory_space<vmem>> -> memref<128xi32, #tpu.memory_space<vmem>>
        %dma_wait3A_25 = arith.constant 0 : i32
        %dma_wait3A_26 = tpu.memref_slice %arg9[%dma_wait3A_25] : memref<10240xf32, #tpu.memory_space<vmem_shared>> -> memref<10240xf32, #tpu.memory_space<vmem_shared>>
        tpu.wait_indirect_dma semaphore(%run_scoped3A : memref<!tpu.dma_semaphore, #tpu.memory_space<semaphore_mem>>) src(%arg7 : memref<128xf32, #tpu.memory_space<vmem>>) dst(%dma_wait3A_26 : memref<10240xf32, #tpu.memory_space<vmem_shared>>)
        tpu.yield
      }) : () -> ()
    }
    %scan3A_9 = arith.constant 80 : i32
    %barrier3A_10 = arith.constant 0 : index
    tpu.barrier barrier_id(%barrier3A_10)
    %mul3A_11 = arith.constant 640 : i32
    %mul3A_12 = arith.muli %arg1, %mul3A_11 : i32
    "tpu.region"() ({
      %run_scoped3A = tpu.sem_alloc : memref<!tpu.dma_semaphore, #tpu.memory_space<semaphore_mem>>
      %dma_start3A = tpu.memref_slice %arg9[%mul3A_12] : memref<10240xf32, #tpu.memory_space<vmem_shared>> -> memref<640xf32, #tpu.memory_space<vmem_shared>>
      %dma_start3A_18 = tpu.memref_slice %arg9[%mul3A_12] : memref<10240xf32, #tpu.memory_space<vmem_shared>> -> memref<640xf32, #tpu.memory_space<vmem_shared>>
      tpu.enqueue_dma source(%dma_start3A_18 : memref<640xf32, #tpu.memory_space<vmem_shared>>) target(%arg8 : memref<640xf32, #tpu.memory_space<vmem>>) target_semaphore(%run_scoped3A : memref<!tpu.dma_semaphore, #tpu.memory_space<semaphore_mem>>)
      %dma_wait3A = tpu.memref_slice %arg9[%mul3A_12] : memref<10240xf32, #tpu.memory_space<vmem_shared>> -> memref<640xf32, #tpu.memory_space<vmem_shared>>
      %dma_wait3A_19 = tpu.memref_slice %arg9[%mul3A_12] : memref<10240xf32, #tpu.memory_space<vmem_shared>> -> memref<640xf32, #tpu.memory_space<vmem_shared>>
      tpu.wait_dma2 semaphore(%run_scoped3A : memref<!tpu.dma_semaphore, #tpu.memory_space<semaphore_mem>>) src(%dma_wait3A_19 : memref<640xf32, #tpu.memory_space<vmem_shared>>) dst(%arg8 : memref<640xf32, #tpu.memory_space<vmem>>)
      tpu.yield
    }) : () -> ()
    %mul3A_13 = arith.constant 10240 : i32
    %mul3A_14 = arith.muli %arg0, %mul3A_13 : i32
    %mul3A_15 = arith.constant 640 : i32
    %mul3A_16 = arith.muli %arg1, %mul3A_15 : i32
    %add3A_17 = arith.addi %mul3A_14, %mul3A_16 : i32
    "tpu.region"() ({
      %run_scoped3A = tpu.sem_alloc : memref<!tpu.dma_semaphore, #tpu.memory_space<semaphore_mem>>
      %dma_start3A = tpu.memref_slice %arg5[%add3A_17] : memref<20480xf32, #tpu.memory_space<hbm>> -> memref<640xf32, #tpu.memory_space<hbm>>
      %dma_start3A_18 = tpu.memref_slice %arg5[%add3A_17] : memref<20480xf32, #tpu.memory_space<hbm>> -> memref<640xf32, #tpu.memory_space<hbm>>
      tpu.enqueue_dma source(%arg8 : memref<640xf32, #tpu.memory_space<vmem>>) target(%dma_start3A_18 : memref<640xf32, #tpu.memory_space<hbm>>) target_semaphore(%run_scoped3A : memref<!tpu.dma_semaphore, #tpu.memory_space<semaphore_mem>>)
      %dma_wait3A = tpu.memref_slice %arg5[%add3A_17] : memref<20480xf32, #tpu.memory_space<hbm>> -> memref<640xf32, #tpu.memory_space<hbm>>
      %dma_wait3A_19 = tpu.memref_slice %arg5[%add3A_17] : memref<20480xf32, #tpu.memory_space<hbm>> -> memref<640xf32, #tpu.memory_space<hbm>>
      tpu.wait_dma2 semaphore(%run_scoped3A : memref<!tpu.dma_semaphore, #tpu.memory_space<semaphore_mem>>) src(%arg8 : memref<640xf32, #tpu.memory_space<vmem>>) dst(%dma_wait3A_19 : memref<640xf32, #tpu.memory_space<hbm>>)
      tpu.yield
    }) : () -> ()
    return
  }
}

#map = affine_map<(d0, d1) -> (0, 0)>
#map1 = affine_map<(d0, d1) -> (0)>
module attributes {stable_mosaic.version = 14 : i64} {
  func.func @prop_sc(%arg0: i32, %arg1: i32, %arg2: memref<10000x128xf32, #tpu.memory_space<hbm>>, %arg3: memref<327680xi32, #tpu.memory_space<hbm>>, %arg4: memref<2560x128xi32, #tpu.memory_space<hbm>>, %arg5: memref<32x128xf32, #tpu.memory_space<hbm>>, %arg6: memref<20480x128xf32, #tpu.memory_space<hbm>>, %arg7: memref<128xi32, #tpu.memory_space<vmem>>, %arg8: memref<128xi32, #tpu.memory_space<vmem>>, %arg9: memref<80x128xi32, #tpu.memory_space<vmem>>, %arg10: memref<128x128xf32, #tpu.memory_space<vmem>>, %arg11: memref<128x128xf32, #tpu.memory_space<vmem>>, %arg12: memref<32x128xf32, #tpu.memory_space<vmem>>, %arg13: memref<10240x128xf32, #tpu.memory_space<vmem_shared>>, %arg14: memref<!tpu.dma_semaphore, #tpu.memory_space<semaphore_mem>>, %arg15: memref<!tpu.dma_semaphore, #tpu.memory_space<semaphore_mem>>, %arg16: memref<!tpu.dma_semaphore, #tpu.memory_space<semaphore_mem>>, %arg17: memref<!tpu.dma_semaphore, #tpu.memory_space<semaphore_mem>>) attributes {dimension_semantics = [#tpu.dimension_semantics<core_parallel>, #tpu.dimension_semantics<subcore_parallel>], iteration_bounds = array<i64: 2, 16>, scalar_prefetch = 0 : i64, scratch_operands = 11 : i64, tpu.core_type = #tpu.core_type<sc_vector_subcore>, window_params = [{transform_indices = #map}, {transform_indices = #map1}, {transform_indices = #map}, {transform_indices = #map}, {transform_indices = #map}]} {
    %mul3A = arith.constant 16 : i32
    %mul3A_0 = arith.muli %arg0, %mul3A : i32
    %add3A = arith.addi %mul3A_0, %arg1 : i32
    %mul3A_1 = arith.constant 80 : i32
    %mul3A_2 = arith.muli %add3A, %mul3A_1 : i32
    %mul3A_3 = arith.constant 128 : i32
    %mul3A_4 = arith.muli %mul3A_2, %mul3A_3 : i32
    %mul3A_5 = arith.constant 80 : i32
    %mul3A_6 = arith.muli %add3A, %mul3A_5 : i32
    "tpu.region"() ({
      %run_scoped3A = tpu.sem_alloc : memref<!tpu.dma_semaphore, #tpu.memory_space<semaphore_mem>>
      %dma_start3A_41 = arith.constant 0 : i32
      %dma_start3A_42 = tpu.memref_slice %arg4[%mul3A_6, %dma_start3A_41] : memref<2560x128xi32, #tpu.memory_space<hbm>> -> memref<80x128xi32, #tpu.memory_space<hbm>>
      %dma_start3A_43 = arith.constant 0 : i32
      %dma_start3A_44 = tpu.memref_slice %arg4[%mul3A_6, %dma_start3A_43] : memref<2560x128xi32, #tpu.memory_space<hbm>> -> memref<80x128xi32, #tpu.memory_space<hbm>>
      tpu.enqueue_dma source(%dma_start3A_44 : memref<80x128xi32, #tpu.memory_space<hbm>>) target(%arg9 : memref<80x128xi32, #tpu.memory_space<vmem>>) target_semaphore(%run_scoped3A : memref<!tpu.dma_semaphore, #tpu.memory_space<semaphore_mem>>)
      %dma_wait3A_45 = arith.constant 0 : i32
      %dma_wait3A_46 = tpu.memref_slice %arg4[%mul3A_6, %dma_wait3A_45] : memref<2560x128xi32, #tpu.memory_space<hbm>> -> memref<80x128xi32, #tpu.memory_space<hbm>>
      %dma_wait3A_47 = arith.constant 0 : i32
      %dma_wait3A_48 = tpu.memref_slice %arg4[%mul3A_6, %dma_wait3A_47] : memref<2560x128xi32, #tpu.memory_space<hbm>> -> memref<80x128xi32, #tpu.memory_space<hbm>>
      tpu.wait_dma2 semaphore(%run_scoped3A : memref<!tpu.dma_semaphore, #tpu.memory_space<semaphore_mem>>) src(%dma_wait3A_48 : memref<80x128xi32, #tpu.memory_space<hbm>>) dst(%arg9 : memref<80x128xi32, #tpu.memory_space<vmem>>)
      tpu.yield
    }) : () -> ()
    "tpu.region"() ({
      %run_scoped3A = tpu.sem_alloc : memref<!tpu.dma_semaphore, #tpu.memory_space<semaphore_mem>>
      %dma_start3A_41 = tpu.memref_slice %arg3[%mul3A_4] : memref<327680xi32, #tpu.memory_space<hbm>> -> memref<128xi32, #tpu.memory_space<hbm>>
      %dma_start3A_42 = tpu.memref_slice %arg3[%mul3A_4] : memref<327680xi32, #tpu.memory_space<hbm>> -> memref<128xi32, #tpu.memory_space<hbm>>
      tpu.enqueue_dma source(%dma_start3A_42 : memref<128xi32, #tpu.memory_space<hbm>>) target(%arg7 : memref<128xi32, #tpu.memory_space<vmem>>) target_semaphore(%run_scoped3A : memref<!tpu.dma_semaphore, #tpu.memory_space<semaphore_mem>>)
      %dma_wait3A_43 = tpu.memref_slice %arg3[%mul3A_4] : memref<327680xi32, #tpu.memory_space<hbm>> -> memref<128xi32, #tpu.memory_space<hbm>>
      %dma_wait3A_44 = tpu.memref_slice %arg3[%mul3A_4] : memref<327680xi32, #tpu.memory_space<hbm>> -> memref<128xi32, #tpu.memory_space<hbm>>
      tpu.wait_dma2 semaphore(%run_scoped3A : memref<!tpu.dma_semaphore, #tpu.memory_space<semaphore_mem>>) src(%dma_wait3A_44 : memref<128xi32, #tpu.memory_space<hbm>>) dst(%arg7 : memref<128xi32, #tpu.memory_space<vmem>>)
      tpu.yield
    }) : () -> ()
    %dma_start3A = arith.constant 0 : i32
    %dma_start3A_7 = arith.constant 0 : i32
    %dma_start3A_8 = tpu.memref_slice %arg2[%dma_start3A, %dma_start3A_7] : memref<10000x128xf32, #tpu.memory_space<hbm>> -> memref<10000x128xf32, #tpu.memory_space<hbm>>
    tpu.enqueue_indirect_dma source(%dma_start3A_8 : memref<10000x128xf32, #tpu.memory_space<hbm>>) target(%arg10 : memref<128x128xf32, #tpu.memory_space<vmem>>) offsets(%arg7 : memref<128xi32, #tpu.memory_space<vmem>>) semaphore(%arg14 : memref<!tpu.dma_semaphore, #tpu.memory_space<semaphore_mem>>)
    "tpu.region"() ({
      %run_scoped3A = tpu.sem_alloc : memref<!tpu.dma_semaphore, #tpu.memory_space<semaphore_mem>>
      tpu.enqueue_dma source(%arg5 : memref<32x128xf32, #tpu.memory_space<hbm>>) target(%arg12 : memref<32x128xf32, #tpu.memory_space<vmem>>) target_semaphore(%run_scoped3A : memref<!tpu.dma_semaphore, #tpu.memory_space<semaphore_mem>>)
      tpu.wait_dma2 semaphore(%run_scoped3A : memref<!tpu.dma_semaphore, #tpu.memory_space<semaphore_mem>>) src(%arg5 : memref<32x128xf32, #tpu.memory_space<hbm>>) dst(%arg12 : memref<32x128xf32, #tpu.memory_space<vmem>>)
      tpu.yield
    }) : () -> ()
    %scan3A = arith.constant 0 : i32
    %scan3A_9 = arith.constant 0 : i32
    %scan3A_10 = arith.constant 20 : i32
    %scan3A_11 = arith.addi %scan3A_9, %scan3A_10 : i32
    %scan3A_12 = arith.constant 1 : i32
    scf.for %scan3A_41 = %scan3A_9 to %scan3A_11 step %scan3A_12  : i32 {
      %mul3A_42 = arith.constant 640 : i32
      %mul3A_43 = arith.muli %arg1, %mul3A_42 : i32
      %mul3A_44 = arith.constant 32 : i32
      %mul3A_45 = arith.muli %scan3A_41, %mul3A_44 : i32
      %add3A_46 = arith.addi %mul3A_43, %mul3A_45 : i32
      "tpu.region"() ({
        %run_scoped3A = tpu.sem_alloc : memref<!tpu.dma_semaphore, #tpu.memory_space<semaphore_mem>>
        %dma_start3A_47 = arith.constant 0 : i32
        %dma_start3A_48 = tpu.memref_slice %arg13[%add3A_46, %dma_start3A_47] : memref<10240x128xf32, #tpu.memory_space<vmem_shared>> -> memref<32x128xf32, #tpu.memory_space<vmem_shared>>
        %dma_start3A_49 = arith.constant 0 : i32
        %dma_start3A_50 = tpu.memref_slice %arg13[%add3A_46, %dma_start3A_49] : memref<10240x128xf32, #tpu.memory_space<vmem_shared>> -> memref<32x128xf32, #tpu.memory_space<vmem_shared>>
        tpu.enqueue_dma source(%arg12 : memref<32x128xf32, #tpu.memory_space<vmem>>) target(%dma_start3A_50 : memref<32x128xf32, #tpu.memory_space<vmem_shared>>) target_semaphore(%run_scoped3A : memref<!tpu.dma_semaphore, #tpu.memory_space<semaphore_mem>>)
        %dma_wait3A_51 = arith.constant 0 : i32
        %dma_wait3A_52 = tpu.memref_slice %arg13[%add3A_46, %dma_wait3A_51] : memref<10240x128xf32, #tpu.memory_space<vmem_shared>> -> memref<32x128xf32, #tpu.memory_space<vmem_shared>>
        %dma_wait3A_53 = arith.constant 0 : i32
        %dma_wait3A_54 = tpu.memref_slice %arg13[%add3A_46, %dma_wait3A_53] : memref<10240x128xf32, #tpu.memory_space<vmem_shared>> -> memref<32x128xf32, #tpu.memory_space<vmem_shared>>
        tpu.wait_dma2 semaphore(%run_scoped3A : memref<!tpu.dma_semaphore, #tpu.memory_space<semaphore_mem>>) src(%arg12 : memref<32x128xf32, #tpu.memory_space<vmem>>) dst(%dma_wait3A_54 : memref<32x128xf32, #tpu.memory_space<vmem_shared>>)
        tpu.yield
      }) : () -> ()
    }
    %scan3A_13 = arith.constant 20 : i32
    %barrier3A = arith.constant 0 : index
    tpu.barrier barrier_id(%barrier3A)
    %scan3A_14 = arith.constant 0 : i32
    %scan3A_15 = arith.constant 0 : i32
    %scan3A_16 = arith.constant 40 : i32
    %scan3A_17 = arith.addi %scan3A_15, %scan3A_16 : i32
    %scan3A_18 = arith.constant 1 : i32
    scf.for %scan3A_41 = %scan3A_15 to %scan3A_17 step %scan3A_18  : i32 {
      %mul3A_42 = arith.constant 2 : i32
      %mul3A_43 = arith.muli %mul3A_42, %scan3A_41 : i32
      %gt3A = arith.constant 0 : i32
      %gt3A_44 = arith.cmpi sgt, %scan3A_41, %gt3A : i32
      %convert_element_type3A = arith.extui %gt3A_44 : i1 to i32
      %cond3A = arith.constant 0 : i32
      %cond3A_45 = arith.cmpi ne, %convert_element_type3A, %cond3A : i32
      scf.if %cond3A_45 {
        %sub3A = arith.constant 1 : i32
        %sub3A_80 = arith.subi %mul3A_43, %sub3A : i32
        %dma_wait3A_81 = arith.constant 0 : i32
        %dma_wait3A_82 = tpu.memref_slice %arg9[%sub3A_80, %dma_wait3A_81] : memref<80x128xi32, #tpu.memory_space<vmem>> -> memref<1x128xi32, #tpu.memory_space<vmem>>
        %dma_wait3A_83 = tpu.memref_squeeze %dma_wait3A_82 : memref<1x128xi32, #tpu.memory_space<vmem>> -> memref<128xi32, #tpu.memory_space<vmem>>
        %dma_wait3A_84 = arith.constant 0 : i32
        %dma_wait3A_85 = arith.constant 0 : i32
        %dma_wait3A_86 = tpu.memref_slice %arg13[%dma_wait3A_84, %dma_wait3A_85] : memref<10240x128xf32, #tpu.memory_space<vmem_shared>> -> memref<10240x128xf32, #tpu.memory_space<vmem_shared>>
        tpu.wait_indirect_dma semaphore(%arg17 : memref<!tpu.dma_semaphore, #tpu.memory_space<semaphore_mem>>) src(%arg11 : memref<128x128xf32, #tpu.memory_space<vmem>>) dst(%dma_wait3A_86 : memref<10240x128xf32, #tpu.memory_space<vmem_shared>>)
      } else {
      }
      %add3A_46 = arith.constant 1 : i32
      %add3A_47 = arith.addi %mul3A_43, %add3A_46 : i32
      %mul3A_48 = arith.constant 128 : i32
      %mul3A_49 = arith.muli %add3A_47, %mul3A_48 : i32
      %add3A_50 = arith.addi %mul3A_4, %mul3A_49 : i32
      "tpu.region"() ({
        %run_scoped3A = tpu.sem_alloc : memref<!tpu.dma_semaphore, #tpu.memory_space<semaphore_mem>>
        %dma_start3A_80 = tpu.memref_slice %arg3[%add3A_50] : memref<327680xi32, #tpu.memory_space<hbm>> -> memref<128xi32, #tpu.memory_space<hbm>>
        %dma_start3A_81 = tpu.memref_slice %arg3[%add3A_50] : memref<327680xi32, #tpu.memory_space<hbm>> -> memref<128xi32, #tpu.memory_space<hbm>>
        tpu.enqueue_dma source(%dma_start3A_81 : memref<128xi32, #tpu.memory_space<hbm>>) target(%arg8 : memref<128xi32, #tpu.memory_space<vmem>>) target_semaphore(%run_scoped3A : memref<!tpu.dma_semaphore, #tpu.memory_space<semaphore_mem>>)
        %dma_wait3A_82 = tpu.memref_slice %arg3[%add3A_50] : memref<327680xi32, #tpu.memory_space<hbm>> -> memref<128xi32, #tpu.memory_space<hbm>>
        %dma_wait3A_83 = tpu.memref_slice %arg3[%add3A_50] : memref<327680xi32, #tpu.memory_space<hbm>> -> memref<128xi32, #tpu.memory_space<hbm>>
        tpu.wait_dma2 semaphore(%run_scoped3A : memref<!tpu.dma_semaphore, #tpu.memory_space<semaphore_mem>>) src(%dma_wait3A_83 : memref<128xi32, #tpu.memory_space<hbm>>) dst(%arg8 : memref<128xi32, #tpu.memory_space<vmem>>)
        tpu.yield
      }) : () -> ()
      %dma_start3A_51 = arith.constant 0 : i32
      %dma_start3A_52 = arith.constant 0 : i32
      %dma_start3A_53 = tpu.memref_slice %arg2[%dma_start3A_51, %dma_start3A_52] : memref<10000x128xf32, #tpu.memory_space<hbm>> -> memref<10000x128xf32, #tpu.memory_space<hbm>>
      tpu.enqueue_indirect_dma source(%dma_start3A_53 : memref<10000x128xf32, #tpu.memory_space<hbm>>) target(%arg11 : memref<128x128xf32, #tpu.memory_space<vmem>>) offsets(%arg8 : memref<128xi32, #tpu.memory_space<vmem>>) semaphore(%arg15 : memref<!tpu.dma_semaphore, #tpu.memory_space<semaphore_mem>>)
      %dma_wait3A_54 = arith.constant 0 : i32
      %dma_wait3A_55 = arith.constant 0 : i32
      %dma_wait3A_56 = tpu.memref_slice %arg2[%dma_wait3A_54, %dma_wait3A_55] : memref<10000x128xf32, #tpu.memory_space<hbm>> -> memref<10000x128xf32, #tpu.memory_space<hbm>>
      tpu.wait_indirect_dma semaphore(%arg14 : memref<!tpu.dma_semaphore, #tpu.memory_space<semaphore_mem>>) src(%dma_wait3A_56 : memref<10000x128xf32, #tpu.memory_space<hbm>>) dst(%arg10 : memref<128x128xf32, #tpu.memory_space<vmem>>)
      %dma_start3A_57 = arith.constant 0 : i32
      %dma_start3A_58 = tpu.memref_slice %arg9[%mul3A_43, %dma_start3A_57] : memref<80x128xi32, #tpu.memory_space<vmem>> -> memref<1x128xi32, #tpu.memory_space<vmem>>
      %dma_start3A_59 = tpu.memref_squeeze %dma_start3A_58 : memref<1x128xi32, #tpu.memory_space<vmem>> -> memref<128xi32, #tpu.memory_space<vmem>>
      %dma_start3A_60 = arith.constant 0 : i32
      %dma_start3A_61 = arith.constant 0 : i32
      %dma_start3A_62 = tpu.memref_slice %arg13[%dma_start3A_60, %dma_start3A_61] : memref<10240x128xf32, #tpu.memory_space<vmem_shared>> -> memref<10240x128xf32, #tpu.memory_space<vmem_shared>>
      tpu.enqueue_indirect_dma source(%arg10 : memref<128x128xf32, #tpu.memory_space<vmem>>) target(%dma_start3A_62 : memref<10240x128xf32, #tpu.memory_space<vmem_shared>>) offsets(%dma_start3A_59 : memref<128xi32, #tpu.memory_space<vmem>>) semaphore(%arg16 : memref<!tpu.dma_semaphore, #tpu.memory_space<semaphore_mem>>) {add = true}
      %dma_wait3A_63 = arith.constant 0 : i32
      %dma_wait3A_64 = arith.constant 0 : i32
      %dma_wait3A_65 = tpu.memref_slice %arg2[%dma_wait3A_63, %dma_wait3A_64] : memref<10000x128xf32, #tpu.memory_space<hbm>> -> memref<10000x128xf32, #tpu.memory_space<hbm>>
      tpu.wait_indirect_dma semaphore(%arg15 : memref<!tpu.dma_semaphore, #tpu.memory_space<semaphore_mem>>) src(%dma_wait3A_65 : memref<10000x128xf32, #tpu.memory_space<hbm>>) dst(%arg11 : memref<128x128xf32, #tpu.memory_space<vmem>>)
      %add3A_66 = arith.constant 1 : i32
      %add3A_67 = arith.addi %mul3A_43, %add3A_66 : i32
      %dma_start3A_68 = arith.constant 0 : i32
      %dma_start3A_69 = tpu.memref_slice %arg9[%add3A_67, %dma_start3A_68] : memref<80x128xi32, #tpu.memory_space<vmem>> -> memref<1x128xi32, #tpu.memory_space<vmem>>
      %dma_start3A_70 = tpu.memref_squeeze %dma_start3A_69 : memref<1x128xi32, #tpu.memory_space<vmem>> -> memref<128xi32, #tpu.memory_space<vmem>>
      %dma_start3A_71 = arith.constant 0 : i32
      %dma_start3A_72 = arith.constant 0 : i32
      %dma_start3A_73 = tpu.memref_slice %arg13[%dma_start3A_71, %dma_start3A_72] : memref<10240x128xf32, #tpu.memory_space<vmem_shared>> -> memref<10240x128xf32, #tpu.memory_space<vmem_shared>>
      tpu.enqueue_indirect_dma source(%arg11 : memref<128x128xf32, #tpu.memory_space<vmem>>) target(%dma_start3A_73 : memref<10240x128xf32, #tpu.memory_space<vmem_shared>>) offsets(%dma_start3A_70 : memref<128xi32, #tpu.memory_space<vmem>>) semaphore(%arg17 : memref<!tpu.dma_semaphore, #tpu.memory_space<semaphore_mem>>) {add = true}
      %add3A_74 = arith.constant 1 : i32
      %add3A_75 = arith.addi %scan3A_41, %add3A_74 : i32
      %lt3A = arith.constant 40 : i32
      %lt3A_76 = arith.cmpi slt, %add3A_75, %lt3A : i32
      %convert_element_type3A_77 = arith.extui %lt3A_76 : i1 to i32
      %cond3A_78 = arith.constant 0 : i32
      %cond3A_79 = arith.cmpi ne, %convert_element_type3A_77, %cond3A_78 : i32
      scf.if %cond3A_79 {
        %dma_wait3A_80 = arith.constant 0 : i32
        %dma_wait3A_81 = tpu.memref_slice %arg9[%mul3A_43, %dma_wait3A_80] : memref<80x128xi32, #tpu.memory_space<vmem>> -> memref<1x128xi32, #tpu.memory_space<vmem>>
        %dma_wait3A_82 = tpu.memref_squeeze %dma_wait3A_81 : memref<1x128xi32, #tpu.memory_space<vmem>> -> memref<128xi32, #tpu.memory_space<vmem>>
        %dma_wait3A_83 = arith.constant 0 : i32
        %dma_wait3A_84 = arith.constant 0 : i32
        %dma_wait3A_85 = tpu.memref_slice %arg13[%dma_wait3A_83, %dma_wait3A_84] : memref<10240x128xf32, #tpu.memory_space<vmem_shared>> -> memref<10240x128xf32, #tpu.memory_space<vmem_shared>>
        tpu.wait_indirect_dma semaphore(%arg16 : memref<!tpu.dma_semaphore, #tpu.memory_space<semaphore_mem>>) src(%arg10 : memref<128x128xf32, #tpu.memory_space<vmem>>) dst(%dma_wait3A_85 : memref<10240x128xf32, #tpu.memory_space<vmem_shared>>)
        %add3A_86 = arith.constant 2 : i32
        %add3A_87 = arith.addi %mul3A_43, %add3A_86 : i32
        %mul3A_88 = arith.constant 128 : i32
        %mul3A_89 = arith.muli %add3A_87, %mul3A_88 : i32
        %add3A_90 = arith.addi %mul3A_4, %mul3A_89 : i32
        "tpu.region"() ({
          %run_scoped3A = tpu.sem_alloc : memref<!tpu.dma_semaphore, #tpu.memory_space<semaphore_mem>>
          %dma_start3A_94 = tpu.memref_slice %arg3[%add3A_90] : memref<327680xi32, #tpu.memory_space<hbm>> -> memref<128xi32, #tpu.memory_space<hbm>>
          %dma_start3A_95 = tpu.memref_slice %arg3[%add3A_90] : memref<327680xi32, #tpu.memory_space<hbm>> -> memref<128xi32, #tpu.memory_space<hbm>>
          tpu.enqueue_dma source(%dma_start3A_95 : memref<128xi32, #tpu.memory_space<hbm>>) target(%arg7 : memref<128xi32, #tpu.memory_space<vmem>>) target_semaphore(%run_scoped3A : memref<!tpu.dma_semaphore, #tpu.memory_space<semaphore_mem>>)
          %dma_wait3A_96 = tpu.memref_slice %arg3[%add3A_90] : memref<327680xi32, #tpu.memory_space<hbm>> -> memref<128xi32, #tpu.memory_space<hbm>>
          %dma_wait3A_97 = tpu.memref_slice %arg3[%add3A_90] : memref<327680xi32, #tpu.memory_space<hbm>> -> memref<128xi32, #tpu.memory_space<hbm>>
          tpu.wait_dma2 semaphore(%run_scoped3A : memref<!tpu.dma_semaphore, #tpu.memory_space<semaphore_mem>>) src(%dma_wait3A_97 : memref<128xi32, #tpu.memory_space<hbm>>) dst(%arg7 : memref<128xi32, #tpu.memory_space<vmem>>)
          tpu.yield
        }) : () -> ()
        %dma_start3A_91 = arith.constant 0 : i32
        %dma_start3A_92 = arith.constant 0 : i32
        %dma_start3A_93 = tpu.memref_slice %arg2[%dma_start3A_91, %dma_start3A_92] : memref<10000x128xf32, #tpu.memory_space<hbm>> -> memref<10000x128xf32, #tpu.memory_space<hbm>>
        tpu.enqueue_indirect_dma source(%dma_start3A_93 : memref<10000x128xf32, #tpu.memory_space<hbm>>) target(%arg10 : memref<128x128xf32, #tpu.memory_space<vmem>>) offsets(%arg7 : memref<128xi32, #tpu.memory_space<vmem>>) semaphore(%arg14 : memref<!tpu.dma_semaphore, #tpu.memory_space<semaphore_mem>>)
      } else {
      }
    }
    %scan3A_19 = arith.constant 40 : i32
    %dma_wait3A = arith.constant 78 : i32
    %dma_wait3A_20 = arith.constant 0 : i32
    %dma_wait3A_21 = tpu.memref_slice %arg9[%dma_wait3A, %dma_wait3A_20] : memref<80x128xi32, #tpu.memory_space<vmem>> -> memref<1x128xi32, #tpu.memory_space<vmem>>
    %dma_wait3A_22 = tpu.memref_squeeze %dma_wait3A_21 : memref<1x128xi32, #tpu.memory_space<vmem>> -> memref<128xi32, #tpu.memory_space<vmem>>
    %dma_wait3A_23 = arith.constant 0 : i32
    %dma_wait3A_24 = arith.constant 0 : i32
    %dma_wait3A_25 = tpu.memref_slice %arg13[%dma_wait3A_23, %dma_wait3A_24] : memref<10240x128xf32, #tpu.memory_space<vmem_shared>> -> memref<10240x128xf32, #tpu.memory_space<vmem_shared>>
    tpu.wait_indirect_dma semaphore(%arg16 : memref<!tpu.dma_semaphore, #tpu.memory_space<semaphore_mem>>) src(%arg10 : memref<128x128xf32, #tpu.memory_space<vmem>>) dst(%dma_wait3A_25 : memref<10240x128xf32, #tpu.memory_space<vmem_shared>>)
    %dma_wait3A_26 = arith.constant 79 : i32
    %dma_wait3A_27 = arith.constant 0 : i32
    %dma_wait3A_28 = tpu.memref_slice %arg9[%dma_wait3A_26, %dma_wait3A_27] : memref<80x128xi32, #tpu.memory_space<vmem>> -> memref<1x128xi32, #tpu.memory_space<vmem>>
    %dma_wait3A_29 = tpu.memref_squeeze %dma_wait3A_28 : memref<1x128xi32, #tpu.memory_space<vmem>> -> memref<128xi32, #tpu.memory_space<vmem>>
    %dma_wait3A_30 = arith.constant 0 : i32
    %dma_wait3A_31 = arith.constant 0 : i32
    %dma_wait3A_32 = tpu.memref_slice %arg13[%dma_wait3A_30, %dma_wait3A_31] : memref<10240x128xf32, #tpu.memory_space<vmem_shared>> -> memref<10240x128xf32, #tpu.memory_space<vmem_shared>>
    tpu.wait_indirect_dma semaphore(%arg17 : memref<!tpu.dma_semaphore, #tpu.memory_space<semaphore_mem>>) src(%arg11 : memref<128x128xf32, #tpu.memory_space<vmem>>) dst(%dma_wait3A_32 : memref<10240x128xf32, #tpu.memory_space<vmem_shared>>)
    %barrier3A_33 = arith.constant 0 : index
    tpu.barrier barrier_id(%barrier3A_33)
    %mul3A_34 = arith.constant 640 : i32
    %mul3A_35 = arith.muli %arg1, %mul3A_34 : i32
    %mul3A_36 = arith.constant 10240 : i32
    %mul3A_37 = arith.muli %arg0, %mul3A_36 : i32
    %mul3A_38 = arith.constant 640 : i32
    %mul3A_39 = arith.muli %arg1, %mul3A_38 : i32
    %add3A_40 = arith.addi %mul3A_37, %mul3A_39 : i32
    "tpu.region"() ({
      %run_scoped3A = tpu.sem_alloc : memref<!tpu.dma_semaphore, #tpu.memory_space<semaphore_mem>>
      %dma_start3A_41 = arith.constant 0 : i32
      %dma_start3A_42 = tpu.memref_slice %arg6[%add3A_40, %dma_start3A_41] : memref<20480x128xf32, #tpu.memory_space<hbm>> -> memref<640x128xf32, #tpu.memory_space<hbm>>
      %dma_start3A_43 = arith.constant 0 : i32
      %dma_start3A_44 = tpu.memref_slice %arg13[%mul3A_35, %dma_start3A_43] : memref<10240x128xf32, #tpu.memory_space<vmem_shared>> -> memref<640x128xf32, #tpu.memory_space<vmem_shared>>
      tpu.enqueue_dma source(%dma_start3A_44 : memref<640x128xf32, #tpu.memory_space<vmem_shared>>) target(%dma_start3A_42 : memref<640x128xf32, #tpu.memory_space<hbm>>) target_semaphore(%run_scoped3A : memref<!tpu.dma_semaphore, #tpu.memory_space<semaphore_mem>>)
      %dma_wait3A_45 = arith.constant 0 : i32
      %dma_wait3A_46 = tpu.memref_slice %arg6[%add3A_40, %dma_wait3A_45] : memref<20480x128xf32, #tpu.memory_space<hbm>> -> memref<640x128xf32, #tpu.memory_space<hbm>>
      %dma_wait3A_47 = arith.constant 0 : i32
      %dma_wait3A_48 = tpu.memref_slice %arg13[%mul3A_35, %dma_wait3A_47] : memref<10240x128xf32, #tpu.memory_space<vmem_shared>> -> memref<640x128xf32, #tpu.memory_space<vmem_shared>>
      tpu.wait_dma2 semaphore(%run_scoped3A : memref<!tpu.dma_semaphore, #tpu.memory_space<semaphore_mem>>) src(%dma_wait3A_48 : memref<640x128xf32, #tpu.memory_space<vmem_shared>>) dst(%dma_wait3A_46 : memref<640x128xf32, #tpu.memory_space<hbm>>)
      tpu.yield
    }) : () -> ()
    return
  }
}

#map = affine_map<(d0, d1) -> (0, 0)>
#map1 = affine_map<(d0, d1) -> (0)>
module attributes {stable_mosaic.version = 14 : i64} {
  func.func @prop_sc(%arg0: i32, %arg1: i32, %arg2: memref<10000x128xf32, #tpu.memory_space<hbm>>, %arg3: memref<327680xi32, #tpu.memory_space<hbm>>, %arg4: memref<2560x128xi32, #tpu.memory_space<hbm>>, %arg5: memref<32x128xf32, #tpu.memory_space<hbm>>, %arg6: memref<20480x128xf32, #tpu.memory_space<hbm>>, %arg7: memref<128xi32, #tpu.memory_space<vmem>>, %arg8: memref<128xi32, #tpu.memory_space<vmem>>, %arg9: memref<80x128xi32, #tpu.memory_space<vmem>>, %arg10: memref<128x128xf32, #tpu.memory_space<vmem>>, %arg11: memref<128x128xf32, #tpu.memory_space<vmem>>, %arg12: memref<32x128xf32, #tpu.memory_space<vmem>>, %arg13: memref<10240x128xf32, #tpu.memory_space<vmem_shared>>, %arg14: memref<!tpu.dma_semaphore, #tpu.memory_space<semaphore_mem>>, %arg15: memref<!tpu.dma_semaphore, #tpu.memory_space<semaphore_mem>>, %arg16: memref<!tpu.dma_semaphore, #tpu.memory_space<semaphore_mem>>, %arg17: memref<!tpu.dma_semaphore, #tpu.memory_space<semaphore_mem>>) attributes {dimension_semantics = [#tpu.dimension_semantics<core_parallel>, #tpu.dimension_semantics<subcore_parallel>], iteration_bounds = array<i64: 2, 16>, scalar_prefetch = 0 : i64, scratch_operands = 11 : i64, tpu.core_type = #tpu.core_type<sc_vector_subcore>, window_params = [{transform_indices = #map}, {transform_indices = #map1}, {transform_indices = #map}, {transform_indices = #map}, {transform_indices = #map}]} {
    %mul3A = arith.constant 16 : i32
    %mul3A_0 = arith.muli %arg0, %mul3A : i32
    %add3A = arith.addi %mul3A_0, %arg1 : i32
    %mul3A_1 = arith.constant 80 : i32
    %mul3A_2 = arith.muli %add3A, %mul3A_1 : i32
    %mul3A_3 = arith.constant 128 : i32
    %mul3A_4 = arith.muli %mul3A_2, %mul3A_3 : i32
    %mul3A_5 = arith.constant 80 : i32
    %mul3A_6 = arith.muli %add3A, %mul3A_5 : i32
    "tpu.region"() ({
      %run_scoped3A = tpu.sem_alloc : memref<!tpu.dma_semaphore, #tpu.memory_space<semaphore_mem>>
      %dma_start3A_41 = arith.constant 0 : i32
      %dma_start3A_42 = tpu.memref_slice %arg4[%mul3A_6, %dma_start3A_41] : memref<2560x128xi32, #tpu.memory_space<hbm>> -> memref<80x128xi32, #tpu.memory_space<hbm>>
      %dma_start3A_43 = arith.constant 0 : i32
      %dma_start3A_44 = tpu.memref_slice %arg4[%mul3A_6, %dma_start3A_43] : memref<2560x128xi32, #tpu.memory_space<hbm>> -> memref<80x128xi32, #tpu.memory_space<hbm>>
      tpu.enqueue_dma source(%dma_start3A_44 : memref<80x128xi32, #tpu.memory_space<hbm>>) target(%arg9 : memref<80x128xi32, #tpu.memory_space<vmem>>) target_semaphore(%run_scoped3A : memref<!tpu.dma_semaphore, #tpu.memory_space<semaphore_mem>>)
      %dma_wait3A_45 = arith.constant 0 : i32
      %dma_wait3A_46 = tpu.memref_slice %arg4[%mul3A_6, %dma_wait3A_45] : memref<2560x128xi32, #tpu.memory_space<hbm>> -> memref<80x128xi32, #tpu.memory_space<hbm>>
      %dma_wait3A_47 = arith.constant 0 : i32
      %dma_wait3A_48 = tpu.memref_slice %arg4[%mul3A_6, %dma_wait3A_47] : memref<2560x128xi32, #tpu.memory_space<hbm>> -> memref<80x128xi32, #tpu.memory_space<hbm>>
      tpu.wait_dma2 semaphore(%run_scoped3A : memref<!tpu.dma_semaphore, #tpu.memory_space<semaphore_mem>>) src(%dma_wait3A_48 : memref<80x128xi32, #tpu.memory_space<hbm>>) dst(%arg9 : memref<80x128xi32, #tpu.memory_space<vmem>>)
      tpu.yield
    }) : () -> ()
    "tpu.region"() ({
      %run_scoped3A = tpu.sem_alloc : memref<!tpu.dma_semaphore, #tpu.memory_space<semaphore_mem>>
      %dma_start3A_41 = tpu.memref_slice %arg3[%mul3A_4] : memref<327680xi32, #tpu.memory_space<hbm>> -> memref<128xi32, #tpu.memory_space<hbm>>
      %dma_start3A_42 = tpu.memref_slice %arg3[%mul3A_4] : memref<327680xi32, #tpu.memory_space<hbm>> -> memref<128xi32, #tpu.memory_space<hbm>>
      tpu.enqueue_dma source(%dma_start3A_42 : memref<128xi32, #tpu.memory_space<hbm>>) target(%arg7 : memref<128xi32, #tpu.memory_space<vmem>>) target_semaphore(%run_scoped3A : memref<!tpu.dma_semaphore, #tpu.memory_space<semaphore_mem>>)
      %dma_wait3A_43 = tpu.memref_slice %arg3[%mul3A_4] : memref<327680xi32, #tpu.memory_space<hbm>> -> memref<128xi32, #tpu.memory_space<hbm>>
      %dma_wait3A_44 = tpu.memref_slice %arg3[%mul3A_4] : memref<327680xi32, #tpu.memory_space<hbm>> -> memref<128xi32, #tpu.memory_space<hbm>>
      tpu.wait_dma2 semaphore(%run_scoped3A : memref<!tpu.dma_semaphore, #tpu.memory_space<semaphore_mem>>) src(%dma_wait3A_44 : memref<128xi32, #tpu.memory_space<hbm>>) dst(%arg7 : memref<128xi32, #tpu.memory_space<vmem>>)
      tpu.yield
    }) : () -> ()
    %dma_start3A = arith.constant 0 : i32
    %dma_start3A_7 = arith.constant 0 : i32
    %dma_start3A_8 = tpu.memref_slice %arg2[%dma_start3A, %dma_start3A_7] : memref<10000x128xf32, #tpu.memory_space<hbm>> -> memref<10000x128xf32, #tpu.memory_space<hbm>>
    tpu.enqueue_indirect_dma source(%dma_start3A_8 : memref<10000x128xf32, #tpu.memory_space<hbm>>) target(%arg10 : memref<128x128xf32, #tpu.memory_space<vmem>>) offsets(%arg7 : memref<128xi32, #tpu.memory_space<vmem>>) semaphore(%arg14 : memref<!tpu.dma_semaphore, #tpu.memory_space<semaphore_mem>>)
    "tpu.region"() ({
      %run_scoped3A = tpu.sem_alloc : memref<!tpu.dma_semaphore, #tpu.memory_space<semaphore_mem>>
      tpu.enqueue_dma source(%arg5 : memref<32x128xf32, #tpu.memory_space<hbm>>) target(%arg12 : memref<32x128xf32, #tpu.memory_space<vmem>>) target_semaphore(%run_scoped3A : memref<!tpu.dma_semaphore, #tpu.memory_space<semaphore_mem>>)
      tpu.wait_dma2 semaphore(%run_scoped3A : memref<!tpu.dma_semaphore, #tpu.memory_space<semaphore_mem>>) src(%arg5 : memref<32x128xf32, #tpu.memory_space<hbm>>) dst(%arg12 : memref<32x128xf32, #tpu.memory_space<vmem>>)
      tpu.yield
    }) : () -> ()
    %scan3A = arith.constant 0 : i32
    %scan3A_9 = arith.constant 0 : i32
    %scan3A_10 = arith.constant 20 : i32
    %scan3A_11 = arith.addi %scan3A_9, %scan3A_10 : i32
    %scan3A_12 = arith.constant 1 : i32
    scf.for %scan3A_41 = %scan3A_9 to %scan3A_11 step %scan3A_12  : i32 {
      %mul3A_42 = arith.constant 640 : i32
      %mul3A_43 = arith.muli %arg1, %mul3A_42 : i32
      %mul3A_44 = arith.constant 32 : i32
      %mul3A_45 = arith.muli %scan3A_41, %mul3A_44 : i32
      %add3A_46 = arith.addi %mul3A_43, %mul3A_45 : i32
      "tpu.region"() ({
        %run_scoped3A = tpu.sem_alloc : memref<!tpu.dma_semaphore, #tpu.memory_space<semaphore_mem>>
        %dma_start3A_47 = arith.constant 0 : i32
        %dma_start3A_48 = tpu.memref_slice %arg13[%add3A_46, %dma_start3A_47] : memref<10240x128xf32, #tpu.memory_space<vmem_shared>> -> memref<32x128xf32, #tpu.memory_space<vmem_shared>>
        %dma_start3A_49 = arith.constant 0 : i32
        %dma_start3A_50 = tpu.memref_slice %arg13[%add3A_46, %dma_start3A_49] : memref<10240x128xf32, #tpu.memory_space<vmem_shared>> -> memref<32x128xf32, #tpu.memory_space<vmem_shared>>
        tpu.enqueue_dma source(%arg12 : memref<32x128xf32, #tpu.memory_space<vmem>>) target(%dma_start3A_50 : memref<32x128xf32, #tpu.memory_space<vmem_shared>>) target_semaphore(%run_scoped3A : memref<!tpu.dma_semaphore, #tpu.memory_space<semaphore_mem>>)
        %dma_wait3A_51 = arith.constant 0 : i32
        %dma_wait3A_52 = tpu.memref_slice %arg13[%add3A_46, %dma_wait3A_51] : memref<10240x128xf32, #tpu.memory_space<vmem_shared>> -> memref<32x128xf32, #tpu.memory_space<vmem_shared>>
        %dma_wait3A_53 = arith.constant 0 : i32
        %dma_wait3A_54 = tpu.memref_slice %arg13[%add3A_46, %dma_wait3A_53] : memref<10240x128xf32, #tpu.memory_space<vmem_shared>> -> memref<32x128xf32, #tpu.memory_space<vmem_shared>>
        tpu.wait_dma2 semaphore(%run_scoped3A : memref<!tpu.dma_semaphore, #tpu.memory_space<semaphore_mem>>) src(%arg12 : memref<32x128xf32, #tpu.memory_space<vmem>>) dst(%dma_wait3A_54 : memref<32x128xf32, #tpu.memory_space<vmem_shared>>)
        tpu.yield
      }) : () -> ()
    }
    %scan3A_13 = arith.constant 20 : i32
    %barrier3A = arith.constant 0 : index
    tpu.barrier barrier_id(%barrier3A)
    %scan3A_14 = arith.constant 0 : i32
    %scan3A_15 = arith.constant 0 : i32
    %scan3A_16 = arith.constant 40 : i32
    %scan3A_17 = arith.addi %scan3A_15, %scan3A_16 : i32
    %scan3A_18 = arith.constant 1 : i32
    scf.for %scan3A_41 = %scan3A_15 to %scan3A_17 step %scan3A_18  : i32 {
      %mul3A_42 = arith.constant 2 : i32
      %mul3A_43 = arith.muli %mul3A_42, %scan3A_41 : i32
      %gt3A = arith.constant 0 : i32
      %gt3A_44 = arith.cmpi sgt, %scan3A_41, %gt3A : i32
      %convert_element_type3A = arith.extui %gt3A_44 : i1 to i32
      %cond3A = arith.constant 0 : i32
      %cond3A_45 = arith.cmpi ne, %convert_element_type3A, %cond3A : i32
      scf.if %cond3A_45 {
        %sub3A = arith.constant 1 : i32
        %sub3A_80 = arith.subi %mul3A_43, %sub3A : i32
        %dma_wait3A_81 = arith.constant 0 : i32
        %dma_wait3A_82 = tpu.memref_slice %arg9[%sub3A_80, %dma_wait3A_81] : memref<80x128xi32, #tpu.memory_space<vmem>> -> memref<1x128xi32, #tpu.memory_space<vmem>>
        %dma_wait3A_83 = tpu.memref_squeeze %dma_wait3A_82 : memref<1x128xi32, #tpu.memory_space<vmem>> -> memref<128xi32, #tpu.memory_space<vmem>>
        %dma_wait3A_84 = arith.constant 0 : i32
        %dma_wait3A_85 = arith.constant 0 : i32
        %dma_wait3A_86 = tpu.memref_slice %arg13[%dma_wait3A_84, %dma_wait3A_85] : memref<10240x128xf32, #tpu.memory_space<vmem_shared>> -> memref<10240x128xf32, #tpu.memory_space<vmem_shared>>
        tpu.wait_indirect_dma semaphore(%arg17 : memref<!tpu.dma_semaphore, #tpu.memory_space<semaphore_mem>>) src(%arg11 : memref<128x128xf32, #tpu.memory_space<vmem>>) dst(%dma_wait3A_86 : memref<10240x128xf32, #tpu.memory_space<vmem_shared>>)
      } else {
      }
      %add3A_46 = arith.constant 1 : i32
      %add3A_47 = arith.addi %mul3A_43, %add3A_46 : i32
      %mul3A_48 = arith.constant 128 : i32
      %mul3A_49 = arith.muli %add3A_47, %mul3A_48 : i32
      %add3A_50 = arith.addi %mul3A_4, %mul3A_49 : i32
      "tpu.region"() ({
        %run_scoped3A = tpu.sem_alloc : memref<!tpu.dma_semaphore, #tpu.memory_space<semaphore_mem>>
        %dma_start3A_80 = tpu.memref_slice %arg3[%add3A_50] : memref<327680xi32, #tpu.memory_space<hbm>> -> memref<128xi32, #tpu.memory_space<hbm>>
        %dma_start3A_81 = tpu.memref_slice %arg3[%add3A_50] : memref<327680xi32, #tpu.memory_space<hbm>> -> memref<128xi32, #tpu.memory_space<hbm>>
        tpu.enqueue_dma source(%dma_start3A_81 : memref<128xi32, #tpu.memory_space<hbm>>) target(%arg8 : memref<128xi32, #tpu.memory_space<vmem>>) target_semaphore(%run_scoped3A : memref<!tpu.dma_semaphore, #tpu.memory_space<semaphore_mem>>)
        %dma_wait3A_82 = tpu.memref_slice %arg3[%add3A_50] : memref<327680xi32, #tpu.memory_space<hbm>> -> memref<128xi32, #tpu.memory_space<hbm>>
        %dma_wait3A_83 = tpu.memref_slice %arg3[%add3A_50] : memref<327680xi32, #tpu.memory_space<hbm>> -> memref<128xi32, #tpu.memory_space<hbm>>
        tpu.wait_dma2 semaphore(%run_scoped3A : memref<!tpu.dma_semaphore, #tpu.memory_space<semaphore_mem>>) src(%dma_wait3A_83 : memref<128xi32, #tpu.memory_space<hbm>>) dst(%arg8 : memref<128xi32, #tpu.memory_space<vmem>>)
        tpu.yield
      }) : () -> ()
      %dma_start3A_51 = arith.constant 0 : i32
      %dma_start3A_52 = arith.constant 0 : i32
      %dma_start3A_53 = tpu.memref_slice %arg2[%dma_start3A_51, %dma_start3A_52] : memref<10000x128xf32, #tpu.memory_space<hbm>> -> memref<10000x128xf32, #tpu.memory_space<hbm>>
      tpu.enqueue_indirect_dma source(%dma_start3A_53 : memref<10000x128xf32, #tpu.memory_space<hbm>>) target(%arg11 : memref<128x128xf32, #tpu.memory_space<vmem>>) offsets(%arg8 : memref<128xi32, #tpu.memory_space<vmem>>) semaphore(%arg15 : memref<!tpu.dma_semaphore, #tpu.memory_space<semaphore_mem>>)
      %dma_wait3A_54 = arith.constant 0 : i32
      %dma_wait3A_55 = arith.constant 0 : i32
      %dma_wait3A_56 = tpu.memref_slice %arg2[%dma_wait3A_54, %dma_wait3A_55] : memref<10000x128xf32, #tpu.memory_space<hbm>> -> memref<10000x128xf32, #tpu.memory_space<hbm>>
      tpu.wait_indirect_dma semaphore(%arg14 : memref<!tpu.dma_semaphore, #tpu.memory_space<semaphore_mem>>) src(%dma_wait3A_56 : memref<10000x128xf32, #tpu.memory_space<hbm>>) dst(%arg10 : memref<128x128xf32, #tpu.memory_space<vmem>>)
      %dma_start3A_57 = arith.constant 0 : i32
      %dma_start3A_58 = tpu.memref_slice %arg9[%mul3A_43, %dma_start3A_57] : memref<80x128xi32, #tpu.memory_space<vmem>> -> memref<1x128xi32, #tpu.memory_space<vmem>>
      %dma_start3A_59 = tpu.memref_squeeze %dma_start3A_58 : memref<1x128xi32, #tpu.memory_space<vmem>> -> memref<128xi32, #tpu.memory_space<vmem>>
      %dma_start3A_60 = arith.constant 0 : i32
      %dma_start3A_61 = arith.constant 0 : i32
      %dma_start3A_62 = tpu.memref_slice %arg13[%dma_start3A_60, %dma_start3A_61] : memref<10240x128xf32, #tpu.memory_space<vmem_shared>> -> memref<10240x128xf32, #tpu.memory_space<vmem_shared>>
      tpu.enqueue_indirect_dma source(%arg10 : memref<128x128xf32, #tpu.memory_space<vmem>>) target(%dma_start3A_62 : memref<10240x128xf32, #tpu.memory_space<vmem_shared>>) offsets(%dma_start3A_59 : memref<128xi32, #tpu.memory_space<vmem>>) semaphore(%arg16 : memref<!tpu.dma_semaphore, #tpu.memory_space<semaphore_mem>>) {add = true}
      %dma_wait3A_63 = arith.constant 0 : i32
      %dma_wait3A_64 = arith.constant 0 : i32
      %dma_wait3A_65 = tpu.memref_slice %arg2[%dma_wait3A_63, %dma_wait3A_64] : memref<10000x128xf32, #tpu.memory_space<hbm>> -> memref<10000x128xf32, #tpu.memory_space<hbm>>
      tpu.wait_indirect_dma semaphore(%arg15 : memref<!tpu.dma_semaphore, #tpu.memory_space<semaphore_mem>>) src(%dma_wait3A_65 : memref<10000x128xf32, #tpu.memory_space<hbm>>) dst(%arg11 : memref<128x128xf32, #tpu.memory_space<vmem>>)
      %add3A_66 = arith.constant 1 : i32
      %add3A_67 = arith.addi %mul3A_43, %add3A_66 : i32
      %dma_start3A_68 = arith.constant 0 : i32
      %dma_start3A_69 = tpu.memref_slice %arg9[%add3A_67, %dma_start3A_68] : memref<80x128xi32, #tpu.memory_space<vmem>> -> memref<1x128xi32, #tpu.memory_space<vmem>>
      %dma_start3A_70 = tpu.memref_squeeze %dma_start3A_69 : memref<1x128xi32, #tpu.memory_space<vmem>> -> memref<128xi32, #tpu.memory_space<vmem>>
      %dma_start3A_71 = arith.constant 0 : i32
      %dma_start3A_72 = arith.constant 0 : i32
      %dma_start3A_73 = tpu.memref_slice %arg13[%dma_start3A_71, %dma_start3A_72] : memref<10240x128xf32, #tpu.memory_space<vmem_shared>> -> memref<10240x128xf32, #tpu.memory_space<vmem_shared>>
      tpu.enqueue_indirect_dma source(%arg11 : memref<128x128xf32, #tpu.memory_space<vmem>>) target(%dma_start3A_73 : memref<10240x128xf32, #tpu.memory_space<vmem_shared>>) offsets(%dma_start3A_70 : memref<128xi32, #tpu.memory_space<vmem>>) semaphore(%arg17 : memref<!tpu.dma_semaphore, #tpu.memory_space<semaphore_mem>>) {add = true}
      %add3A_74 = arith.constant 1 : i32
      %add3A_75 = arith.addi %scan3A_41, %add3A_74 : i32
      %lt3A = arith.constant 40 : i32
      %lt3A_76 = arith.cmpi slt, %add3A_75, %lt3A : i32
      %convert_element_type3A_77 = arith.extui %lt3A_76 : i1 to i32
      %cond3A_78 = arith.constant 0 : i32
      %cond3A_79 = arith.cmpi ne, %convert_element_type3A_77, %cond3A_78 : i32
      scf.if %cond3A_79 {
        %dma_wait3A_80 = arith.constant 0 : i32
        %dma_wait3A_81 = tpu.memref_slice %arg9[%mul3A_43, %dma_wait3A_80] : memref<80x128xi32, #tpu.memory_space<vmem>> -> memref<1x128xi32, #tpu.memory_space<vmem>>
        %dma_wait3A_82 = tpu.memref_squeeze %dma_wait3A_81 : memref<1x128xi32, #tpu.memory_space<vmem>> -> memref<128xi32, #tpu.memory_space<vmem>>
        %dma_wait3A_83 = arith.constant 0 : i32
        %dma_wait3A_84 = arith.constant 0 : i32
        %dma_wait3A_85 = tpu.memref_slice %arg13[%dma_wait3A_83, %dma_wait3A_84] : memref<10240x128xf32, #tpu.memory_space<vmem_shared>> -> memref<10240x128xf32, #tpu.memory_space<vmem_shared>>
        tpu.wait_indirect_dma semaphore(%arg16 : memref<!tpu.dma_semaphore, #tpu.memory_space<semaphore_mem>>) src(%arg10 : memref<128x128xf32, #tpu.memory_space<vmem>>) dst(%dma_wait3A_85 : memref<10240x128xf32, #tpu.memory_space<vmem_shared>>)
        %add3A_86 = arith.constant 2 : i32
        %add3A_87 = arith.addi %mul3A_43, %add3A_86 : i32
        %mul3A_88 = arith.constant 128 : i32
        %mul3A_89 = arith.muli %add3A_87, %mul3A_88 : i32
        %add3A_90 = arith.addi %mul3A_4, %mul3A_89 : i32
        "tpu.region"() ({
          %run_scoped3A = tpu.sem_alloc : memref<!tpu.dma_semaphore, #tpu.memory_space<semaphore_mem>>
          %dma_start3A_94 = tpu.memref_slice %arg3[%add3A_90] : memref<327680xi32, #tpu.memory_space<hbm>> -> memref<128xi32, #tpu.memory_space<hbm>>
          %dma_start3A_95 = tpu.memref_slice %arg3[%add3A_90] : memref<327680xi32, #tpu.memory_space<hbm>> -> memref<128xi32, #tpu.memory_space<hbm>>
          tpu.enqueue_dma source(%dma_start3A_95 : memref<128xi32, #tpu.memory_space<hbm>>) target(%arg7 : memref<128xi32, #tpu.memory_space<vmem>>) target_semaphore(%run_scoped3A : memref<!tpu.dma_semaphore, #tpu.memory_space<semaphore_mem>>)
          %dma_wait3A_96 = tpu.memref_slice %arg3[%add3A_90] : memref<327680xi32, #tpu.memory_space<hbm>> -> memref<128xi32, #tpu.memory_space<hbm>>
          %dma_wait3A_97 = tpu.memref_slice %arg3[%add3A_90] : memref<327680xi32, #tpu.memory_space<hbm>> -> memref<128xi32, #tpu.memory_space<hbm>>
          tpu.wait_dma2 semaphore(%run_scoped3A : memref<!tpu.dma_semaphore, #tpu.memory_space<semaphore_mem>>) src(%dma_wait3A_97 : memref<128xi32, #tpu.memory_space<hbm>>) dst(%arg7 : memref<128xi32, #tpu.memory_space<vmem>>)
          tpu.yield
        }) : () -> ()
        %dma_start3A_91 = arith.constant 0 : i32
        %dma_start3A_92 = arith.constant 0 : i32
        %dma_start3A_93 = tpu.memref_slice %arg2[%dma_start3A_91, %dma_start3A_92] : memref<10000x128xf32, #tpu.memory_space<hbm>> -> memref<10000x128xf32, #tpu.memory_space<hbm>>
        tpu.enqueue_indirect_dma source(%dma_start3A_93 : memref<10000x128xf32, #tpu.memory_space<hbm>>) target(%arg10 : memref<128x128xf32, #tpu.memory_space<vmem>>) offsets(%arg7 : memref<128xi32, #tpu.memory_space<vmem>>) semaphore(%arg14 : memref<!tpu.dma_semaphore, #tpu.memory_space<semaphore_mem>>)
      } else {
      }
    }
    %scan3A_19 = arith.constant 40 : i32
    %dma_wait3A = arith.constant 78 : i32
    %dma_wait3A_20 = arith.constant 0 : i32
    %dma_wait3A_21 = tpu.memref_slice %arg9[%dma_wait3A, %dma_wait3A_20] : memref<80x128xi32, #tpu.memory_space<vmem>> -> memref<1x128xi32, #tpu.memory_space<vmem>>
    %dma_wait3A_22 = tpu.memref_squeeze %dma_wait3A_21 : memref<1x128xi32, #tpu.memory_space<vmem>> -> memref<128xi32, #tpu.memory_space<vmem>>
    %dma_wait3A_23 = arith.constant 0 : i32
    %dma_wait3A_24 = arith.constant 0 : i32
    %dma_wait3A_25 = tpu.memref_slice %arg13[%dma_wait3A_23, %dma_wait3A_24] : memref<10240x128xf32, #tpu.memory_space<vmem_shared>> -> memref<10240x128xf32, #tpu.memory_space<vmem_shared>>
    tpu.wait_indirect_dma semaphore(%arg16 : memref<!tpu.dma_semaphore, #tpu.memory_space<semaphore_mem>>) src(%arg10 : memref<128x128xf32, #tpu.memory_space<vmem>>) dst(%dma_wait3A_25 : memref<10240x128xf32, #tpu.memory_space<vmem_shared>>)
    %dma_wait3A_26 = arith.constant 79 : i32
    %dma_wait3A_27 = arith.constant 0 : i32
    %dma_wait3A_28 = tpu.memref_slice %arg9[%dma_wait3A_26, %dma_wait3A_27] : memref<80x128xi32, #tpu.memory_space<vmem>> -> memref<1x128xi32, #tpu.memory_space<vmem>>
    %dma_wait3A_29 = tpu.memref_squeeze %dma_wait3A_28 : memref<1x128xi32, #tpu.memory_space<vmem>> -> memref<128xi32, #tpu.memory_space<vmem>>
    %dma_wait3A_30 = arith.constant 0 : i32
    %dma_wait3A_31 = arith.constant 0 : i32
    %dma_wait3A_32 = tpu.memref_slice %arg13[%dma_wait3A_30, %dma_wait3A_31] : memref<10240x128xf32, #tpu.memory_space<vmem_shared>> -> memref<10240x128xf32, #tpu.memory_space<vmem_shared>>
    tpu.wait_indirect_dma semaphore(%arg17 : memref<!tpu.dma_semaphore, #tpu.memory_space<semaphore_mem>>) src(%arg11 : memref<128x128xf32, #tpu.memory_space<vmem>>) dst(%dma_wait3A_32 : memref<10240x128xf32, #tpu.memory_space<vmem_shared>>)
    %barrier3A_33 = arith.constant 0 : index
    tpu.barrier barrier_id(%barrier3A_33)
    %mul3A_34 = arith.constant 640 : i32
    %mul3A_35 = arith.muli %arg1, %mul3A_34 : i32
    %mul3A_36 = arith.constant 10240 : i32
    %mul3A_37 = arith.muli %arg0, %mul3A_36 : i32
    %mul3A_38 = arith.constant 640 : i32
    %mul3A_39 = arith.muli %arg1, %mul3A_38 : i32
    %add3A_40 = arith.addi %mul3A_37, %mul3A_39 : i32
    "tpu.region"() ({
      %run_scoped3A = tpu.sem_alloc : memref<!tpu.dma_semaphore, #tpu.memory_space<semaphore_mem>>
      %dma_start3A_41 = arith.constant 0 : i32
      %dma_start3A_42 = tpu.memref_slice %arg6[%add3A_40, %dma_start3A_41] : memref<20480x128xf32, #tpu.memory_space<hbm>> -> memref<640x128xf32, #tpu.memory_space<hbm>>
      %dma_start3A_43 = arith.constant 0 : i32
      %dma_start3A_44 = tpu.memref_slice %arg13[%mul3A_35, %dma_start3A_43] : memref<10240x128xf32, #tpu.memory_space<vmem_shared>> -> memref<640x128xf32, #tpu.memory_space<vmem_shared>>
      tpu.enqueue_dma source(%dma_start3A_44 : memref<640x128xf32, #tpu.memory_space<vmem_shared>>) target(%dma_start3A_42 : memref<640x128xf32, #tpu.memory_space<hbm>>) target_semaphore(%run_scoped3A : memref<!tpu.dma_semaphore, #tpu.memory_space<semaphore_mem>>)
      %dma_wait3A_45 = arith.constant 0 : i32
      %dma_wait3A_46 = tpu.memref_slice %arg6[%add3A_40, %dma_wait3A_45] : memref<20480x128xf32, #tpu.memory_space<hbm>> -> memref<640x128xf32, #tpu.memory_space<hbm>>
      %dma_wait3A_47 = arith.constant 0 : i32
      %dma_wait3A_48 = tpu.memref_slice %arg13[%mul3A_35, %dma_wait3A_47] : memref<10240x128xf32, #tpu.memory_space<vmem_shared>> -> memref<640x128xf32, #tpu.memory_space<vmem_shared>>
      tpu.wait_dma2 semaphore(%run_scoped3A : memref<!tpu.dma_semaphore, #tpu.memory_space<semaphore_mem>>) src(%dma_wait3A_48 : memref<640x128xf32, #tpu.memory_space<vmem_shared>>) dst(%dma_wait3A_46 : memref<640x128xf32, #tpu.memory_space<hbm>>)
      tpu.yield
    }) : () -> ()
    return
  }
}

#map = affine_map<(d0, d1) -> (0, 0)>
#map1 = affine_map<(d0, d1) -> (0)>
module attributes {stable_mosaic.version = 14 : i64} {
  func.func @prop_sc(%arg0: i32, %arg1: i32, %arg2: memref<10000x128xf32, #tpu.memory_space<hbm>>, %arg3: memref<327680xi32, #tpu.memory_space<hbm>>, %arg4: memref<2560x128xi32, #tpu.memory_space<hbm>>, %arg5: memref<32x128xf32, #tpu.memory_space<hbm>>, %arg6: memref<20480x128xf32, #tpu.memory_space<hbm>>, %arg7: memref<128xi32, #tpu.memory_space<vmem>>, %arg8: memref<128xi32, #tpu.memory_space<vmem>>, %arg9: memref<80x128xi32, #tpu.memory_space<vmem>>, %arg10: memref<128x128xf32, #tpu.memory_space<vmem>>, %arg11: memref<128x128xf32, #tpu.memory_space<vmem>>, %arg12: memref<32x128xf32, #tpu.memory_space<vmem>>, %arg13: memref<10240x128xf32, #tpu.memory_space<vmem_shared>>, %arg14: memref<!tpu.dma_semaphore, #tpu.memory_space<semaphore_mem>>, %arg15: memref<!tpu.dma_semaphore, #tpu.memory_space<semaphore_mem>>, %arg16: memref<!tpu.dma_semaphore, #tpu.memory_space<semaphore_mem>>, %arg17: memref<!tpu.dma_semaphore, #tpu.memory_space<semaphore_mem>>) attributes {dimension_semantics = [#tpu.dimension_semantics<core_parallel>, #tpu.dimension_semantics<subcore_parallel>], iteration_bounds = array<i64: 2, 16>, scalar_prefetch = 0 : i64, scratch_operands = 11 : i64, tpu.core_type = #tpu.core_type<sc_vector_subcore>, window_params = [{transform_indices = #map}, {transform_indices = #map1}, {transform_indices = #map}, {transform_indices = #map}, {transform_indices = #map}]} {
    %mul3A = arith.constant 16 : i32
    %mul3A_0 = arith.muli %arg0, %mul3A : i32
    %add3A = arith.addi %mul3A_0, %arg1 : i32
    %mul3A_1 = arith.constant 80 : i32
    %mul3A_2 = arith.muli %add3A, %mul3A_1 : i32
    %mul3A_3 = arith.constant 128 : i32
    %mul3A_4 = arith.muli %mul3A_2, %mul3A_3 : i32
    %mul3A_5 = arith.constant 80 : i32
    %mul3A_6 = arith.muli %add3A, %mul3A_5 : i32
    "tpu.region"() ({
      %run_scoped3A = tpu.sem_alloc : memref<!tpu.dma_semaphore, #tpu.memory_space<semaphore_mem>>
      %dma_start3A_41 = arith.constant 0 : i32
      %dma_start3A_42 = tpu.memref_slice %arg4[%mul3A_6, %dma_start3A_41] : memref<2560x128xi32, #tpu.memory_space<hbm>> -> memref<80x128xi32, #tpu.memory_space<hbm>>
      %dma_start3A_43 = arith.constant 0 : i32
      %dma_start3A_44 = tpu.memref_slice %arg4[%mul3A_6, %dma_start3A_43] : memref<2560x128xi32, #tpu.memory_space<hbm>> -> memref<80x128xi32, #tpu.memory_space<hbm>>
      tpu.enqueue_dma source(%dma_start3A_44 : memref<80x128xi32, #tpu.memory_space<hbm>>) target(%arg9 : memref<80x128xi32, #tpu.memory_space<vmem>>) target_semaphore(%run_scoped3A : memref<!tpu.dma_semaphore, #tpu.memory_space<semaphore_mem>>)
      %dma_wait3A_45 = arith.constant 0 : i32
      %dma_wait3A_46 = tpu.memref_slice %arg4[%mul3A_6, %dma_wait3A_45] : memref<2560x128xi32, #tpu.memory_space<hbm>> -> memref<80x128xi32, #tpu.memory_space<hbm>>
      %dma_wait3A_47 = arith.constant 0 : i32
      %dma_wait3A_48 = tpu.memref_slice %arg4[%mul3A_6, %dma_wait3A_47] : memref<2560x128xi32, #tpu.memory_space<hbm>> -> memref<80x128xi32, #tpu.memory_space<hbm>>
      tpu.wait_dma2 semaphore(%run_scoped3A : memref<!tpu.dma_semaphore, #tpu.memory_space<semaphore_mem>>) src(%dma_wait3A_48 : memref<80x128xi32, #tpu.memory_space<hbm>>) dst(%arg9 : memref<80x128xi32, #tpu.memory_space<vmem>>)
      tpu.yield
    }) : () -> ()
    "tpu.region"() ({
      %run_scoped3A = tpu.sem_alloc : memref<!tpu.dma_semaphore, #tpu.memory_space<semaphore_mem>>
      %dma_start3A_41 = tpu.memref_slice %arg3[%mul3A_4] : memref<327680xi32, #tpu.memory_space<hbm>> -> memref<128xi32, #tpu.memory_space<hbm>>
      %dma_start3A_42 = tpu.memref_slice %arg3[%mul3A_4] : memref<327680xi32, #tpu.memory_space<hbm>> -> memref<128xi32, #tpu.memory_space<hbm>>
      tpu.enqueue_dma source(%dma_start3A_42 : memref<128xi32, #tpu.memory_space<hbm>>) target(%arg7 : memref<128xi32, #tpu.memory_space<vmem>>) target_semaphore(%run_scoped3A : memref<!tpu.dma_semaphore, #tpu.memory_space<semaphore_mem>>)
      %dma_wait3A_43 = tpu.memref_slice %arg3[%mul3A_4] : memref<327680xi32, #tpu.memory_space<hbm>> -> memref<128xi32, #tpu.memory_space<hbm>>
      %dma_wait3A_44 = tpu.memref_slice %arg3[%mul3A_4] : memref<327680xi32, #tpu.memory_space<hbm>> -> memref<128xi32, #tpu.memory_space<hbm>>
      tpu.wait_dma2 semaphore(%run_scoped3A : memref<!tpu.dma_semaphore, #tpu.memory_space<semaphore_mem>>) src(%dma_wait3A_44 : memref<128xi32, #tpu.memory_space<hbm>>) dst(%arg7 : memref<128xi32, #tpu.memory_space<vmem>>)
      tpu.yield
    }) : () -> ()
    %dma_start3A = arith.constant 0 : i32
    %dma_start3A_7 = arith.constant 0 : i32
    %dma_start3A_8 = tpu.memref_slice %arg2[%dma_start3A, %dma_start3A_7] : memref<10000x128xf32, #tpu.memory_space<hbm>> -> memref<10000x128xf32, #tpu.memory_space<hbm>>
    tpu.enqueue_indirect_dma source(%dma_start3A_8 : memref<10000x128xf32, #tpu.memory_space<hbm>>) target(%arg10 : memref<128x128xf32, #tpu.memory_space<vmem>>) offsets(%arg7 : memref<128xi32, #tpu.memory_space<vmem>>) semaphore(%arg14 : memref<!tpu.dma_semaphore, #tpu.memory_space<semaphore_mem>>)
    "tpu.region"() ({
      %run_scoped3A = tpu.sem_alloc : memref<!tpu.dma_semaphore, #tpu.memory_space<semaphore_mem>>
      tpu.enqueue_dma source(%arg5 : memref<32x128xf32, #tpu.memory_space<hbm>>) target(%arg12 : memref<32x128xf32, #tpu.memory_space<vmem>>) target_semaphore(%run_scoped3A : memref<!tpu.dma_semaphore, #tpu.memory_space<semaphore_mem>>)
      tpu.wait_dma2 semaphore(%run_scoped3A : memref<!tpu.dma_semaphore, #tpu.memory_space<semaphore_mem>>) src(%arg5 : memref<32x128xf32, #tpu.memory_space<hbm>>) dst(%arg12 : memref<32x128xf32, #tpu.memory_space<vmem>>)
      tpu.yield
    }) : () -> ()
    %scan3A = arith.constant 0 : i32
    %scan3A_9 = arith.constant 0 : i32
    %scan3A_10 = arith.constant 20 : i32
    %scan3A_11 = arith.addi %scan3A_9, %scan3A_10 : i32
    %scan3A_12 = arith.constant 1 : i32
    scf.for %scan3A_41 = %scan3A_9 to %scan3A_11 step %scan3A_12  : i32 {
      %mul3A_42 = arith.constant 640 : i32
      %mul3A_43 = arith.muli %arg1, %mul3A_42 : i32
      %mul3A_44 = arith.constant 32 : i32
      %mul3A_45 = arith.muli %scan3A_41, %mul3A_44 : i32
      %add3A_46 = arith.addi %mul3A_43, %mul3A_45 : i32
      "tpu.region"() ({
        %run_scoped3A = tpu.sem_alloc : memref<!tpu.dma_semaphore, #tpu.memory_space<semaphore_mem>>
        %dma_start3A_47 = arith.constant 0 : i32
        %dma_start3A_48 = tpu.memref_slice %arg13[%add3A_46, %dma_start3A_47] : memref<10240x128xf32, #tpu.memory_space<vmem_shared>> -> memref<32x128xf32, #tpu.memory_space<vmem_shared>>
        %dma_start3A_49 = arith.constant 0 : i32
        %dma_start3A_50 = tpu.memref_slice %arg13[%add3A_46, %dma_start3A_49] : memref<10240x128xf32, #tpu.memory_space<vmem_shared>> -> memref<32x128xf32, #tpu.memory_space<vmem_shared>>
        tpu.enqueue_dma source(%arg12 : memref<32x128xf32, #tpu.memory_space<vmem>>) target(%dma_start3A_50 : memref<32x128xf32, #tpu.memory_space<vmem_shared>>) target_semaphore(%run_scoped3A : memref<!tpu.dma_semaphore, #tpu.memory_space<semaphore_mem>>)
        %dma_wait3A_51 = arith.constant 0 : i32
        %dma_wait3A_52 = tpu.memref_slice %arg13[%add3A_46, %dma_wait3A_51] : memref<10240x128xf32, #tpu.memory_space<vmem_shared>> -> memref<32x128xf32, #tpu.memory_space<vmem_shared>>
        %dma_wait3A_53 = arith.constant 0 : i32
        %dma_wait3A_54 = tpu.memref_slice %arg13[%add3A_46, %dma_wait3A_53] : memref<10240x128xf32, #tpu.memory_space<vmem_shared>> -> memref<32x128xf32, #tpu.memory_space<vmem_shared>>
        tpu.wait_dma2 semaphore(%run_scoped3A : memref<!tpu.dma_semaphore, #tpu.memory_space<semaphore_mem>>) src(%arg12 : memref<32x128xf32, #tpu.memory_space<vmem>>) dst(%dma_wait3A_54 : memref<32x128xf32, #tpu.memory_space<vmem_shared>>)
        tpu.yield
      }) : () -> ()
    }
    %scan3A_13 = arith.constant 20 : i32
    %barrier3A = arith.constant 0 : index
    tpu.barrier barrier_id(%barrier3A)
    %scan3A_14 = arith.constant 0 : i32
    %scan3A_15 = arith.constant 0 : i32
    %scan3A_16 = arith.constant 40 : i32
    %scan3A_17 = arith.addi %scan3A_15, %scan3A_16 : i32
    %scan3A_18 = arith.constant 1 : i32
    scf.for %scan3A_41 = %scan3A_15 to %scan3A_17 step %scan3A_18  : i32 {
      %mul3A_42 = arith.constant 2 : i32
      %mul3A_43 = arith.muli %mul3A_42, %scan3A_41 : i32
      %gt3A = arith.constant 0 : i32
      %gt3A_44 = arith.cmpi sgt, %scan3A_41, %gt3A : i32
      %convert_element_type3A = arith.extui %gt3A_44 : i1 to i32
      %cond3A = arith.constant 0 : i32
      %cond3A_45 = arith.cmpi ne, %convert_element_type3A, %cond3A : i32
      scf.if %cond3A_45 {
        %sub3A = arith.constant 1 : i32
        %sub3A_80 = arith.subi %mul3A_43, %sub3A : i32
        %dma_wait3A_81 = arith.constant 0 : i32
        %dma_wait3A_82 = tpu.memref_slice %arg9[%sub3A_80, %dma_wait3A_81] : memref<80x128xi32, #tpu.memory_space<vmem>> -> memref<1x128xi32, #tpu.memory_space<vmem>>
        %dma_wait3A_83 = tpu.memref_squeeze %dma_wait3A_82 : memref<1x128xi32, #tpu.memory_space<vmem>> -> memref<128xi32, #tpu.memory_space<vmem>>
        %dma_wait3A_84 = arith.constant 0 : i32
        %dma_wait3A_85 = arith.constant 0 : i32
        %dma_wait3A_86 = tpu.memref_slice %arg13[%dma_wait3A_84, %dma_wait3A_85] : memref<10240x128xf32, #tpu.memory_space<vmem_shared>> -> memref<10240x128xf32, #tpu.memory_space<vmem_shared>>
        tpu.wait_indirect_dma semaphore(%arg17 : memref<!tpu.dma_semaphore, #tpu.memory_space<semaphore_mem>>) src(%arg11 : memref<128x128xf32, #tpu.memory_space<vmem>>) dst(%dma_wait3A_86 : memref<10240x128xf32, #tpu.memory_space<vmem_shared>>)
      } else {
      }
      %add3A_46 = arith.constant 1 : i32
      %add3A_47 = arith.addi %mul3A_43, %add3A_46 : i32
      %mul3A_48 = arith.constant 128 : i32
      %mul3A_49 = arith.muli %add3A_47, %mul3A_48 : i32
      %add3A_50 = arith.addi %mul3A_4, %mul3A_49 : i32
      "tpu.region"() ({
        %run_scoped3A = tpu.sem_alloc : memref<!tpu.dma_semaphore, #tpu.memory_space<semaphore_mem>>
        %dma_start3A_80 = tpu.memref_slice %arg3[%add3A_50] : memref<327680xi32, #tpu.memory_space<hbm>> -> memref<128xi32, #tpu.memory_space<hbm>>
        %dma_start3A_81 = tpu.memref_slice %arg3[%add3A_50] : memref<327680xi32, #tpu.memory_space<hbm>> -> memref<128xi32, #tpu.memory_space<hbm>>
        tpu.enqueue_dma source(%dma_start3A_81 : memref<128xi32, #tpu.memory_space<hbm>>) target(%arg8 : memref<128xi32, #tpu.memory_space<vmem>>) target_semaphore(%run_scoped3A : memref<!tpu.dma_semaphore, #tpu.memory_space<semaphore_mem>>)
        %dma_wait3A_82 = tpu.memref_slice %arg3[%add3A_50] : memref<327680xi32, #tpu.memory_space<hbm>> -> memref<128xi32, #tpu.memory_space<hbm>>
        %dma_wait3A_83 = tpu.memref_slice %arg3[%add3A_50] : memref<327680xi32, #tpu.memory_space<hbm>> -> memref<128xi32, #tpu.memory_space<hbm>>
        tpu.wait_dma2 semaphore(%run_scoped3A : memref<!tpu.dma_semaphore, #tpu.memory_space<semaphore_mem>>) src(%dma_wait3A_83 : memref<128xi32, #tpu.memory_space<hbm>>) dst(%arg8 : memref<128xi32, #tpu.memory_space<vmem>>)
        tpu.yield
      }) : () -> ()
      %dma_start3A_51 = arith.constant 0 : i32
      %dma_start3A_52 = arith.constant 0 : i32
      %dma_start3A_53 = tpu.memref_slice %arg2[%dma_start3A_51, %dma_start3A_52] : memref<10000x128xf32, #tpu.memory_space<hbm>> -> memref<10000x128xf32, #tpu.memory_space<hbm>>
      tpu.enqueue_indirect_dma source(%dma_start3A_53 : memref<10000x128xf32, #tpu.memory_space<hbm>>) target(%arg11 : memref<128x128xf32, #tpu.memory_space<vmem>>) offsets(%arg8 : memref<128xi32, #tpu.memory_space<vmem>>) semaphore(%arg15 : memref<!tpu.dma_semaphore, #tpu.memory_space<semaphore_mem>>)
      %dma_wait3A_54 = arith.constant 0 : i32
      %dma_wait3A_55 = arith.constant 0 : i32
      %dma_wait3A_56 = tpu.memref_slice %arg2[%dma_wait3A_54, %dma_wait3A_55] : memref<10000x128xf32, #tpu.memory_space<hbm>> -> memref<10000x128xf32, #tpu.memory_space<hbm>>
      tpu.wait_indirect_dma semaphore(%arg14 : memref<!tpu.dma_semaphore, #tpu.memory_space<semaphore_mem>>) src(%dma_wait3A_56 : memref<10000x128xf32, #tpu.memory_space<hbm>>) dst(%arg10 : memref<128x128xf32, #tpu.memory_space<vmem>>)
      %dma_start3A_57 = arith.constant 0 : i32
      %dma_start3A_58 = tpu.memref_slice %arg9[%mul3A_43, %dma_start3A_57] : memref<80x128xi32, #tpu.memory_space<vmem>> -> memref<1x128xi32, #tpu.memory_space<vmem>>
      %dma_start3A_59 = tpu.memref_squeeze %dma_start3A_58 : memref<1x128xi32, #tpu.memory_space<vmem>> -> memref<128xi32, #tpu.memory_space<vmem>>
      %dma_start3A_60 = arith.constant 0 : i32
      %dma_start3A_61 = arith.constant 0 : i32
      %dma_start3A_62 = tpu.memref_slice %arg13[%dma_start3A_60, %dma_start3A_61] : memref<10240x128xf32, #tpu.memory_space<vmem_shared>> -> memref<10240x128xf32, #tpu.memory_space<vmem_shared>>
      tpu.enqueue_indirect_dma source(%arg10 : memref<128x128xf32, #tpu.memory_space<vmem>>) target(%dma_start3A_62 : memref<10240x128xf32, #tpu.memory_space<vmem_shared>>) offsets(%dma_start3A_59 : memref<128xi32, #tpu.memory_space<vmem>>) semaphore(%arg16 : memref<!tpu.dma_semaphore, #tpu.memory_space<semaphore_mem>>) {add = true}
      %dma_wait3A_63 = arith.constant 0 : i32
      %dma_wait3A_64 = arith.constant 0 : i32
      %dma_wait3A_65 = tpu.memref_slice %arg2[%dma_wait3A_63, %dma_wait3A_64] : memref<10000x128xf32, #tpu.memory_space<hbm>> -> memref<10000x128xf32, #tpu.memory_space<hbm>>
      tpu.wait_indirect_dma semaphore(%arg15 : memref<!tpu.dma_semaphore, #tpu.memory_space<semaphore_mem>>) src(%dma_wait3A_65 : memref<10000x128xf32, #tpu.memory_space<hbm>>) dst(%arg11 : memref<128x128xf32, #tpu.memory_space<vmem>>)
      %add3A_66 = arith.constant 1 : i32
      %add3A_67 = arith.addi %mul3A_43, %add3A_66 : i32
      %dma_start3A_68 = arith.constant 0 : i32
      %dma_start3A_69 = tpu.memref_slice %arg9[%add3A_67, %dma_start3A_68] : memref<80x128xi32, #tpu.memory_space<vmem>> -> memref<1x128xi32, #tpu.memory_space<vmem>>
      %dma_start3A_70 = tpu.memref_squeeze %dma_start3A_69 : memref<1x128xi32, #tpu.memory_space<vmem>> -> memref<128xi32, #tpu.memory_space<vmem>>
      %dma_start3A_71 = arith.constant 0 : i32
      %dma_start3A_72 = arith.constant 0 : i32
      %dma_start3A_73 = tpu.memref_slice %arg13[%dma_start3A_71, %dma_start3A_72] : memref<10240x128xf32, #tpu.memory_space<vmem_shared>> -> memref<10240x128xf32, #tpu.memory_space<vmem_shared>>
      tpu.enqueue_indirect_dma source(%arg11 : memref<128x128xf32, #tpu.memory_space<vmem>>) target(%dma_start3A_73 : memref<10240x128xf32, #tpu.memory_space<vmem_shared>>) offsets(%dma_start3A_70 : memref<128xi32, #tpu.memory_space<vmem>>) semaphore(%arg17 : memref<!tpu.dma_semaphore, #tpu.memory_space<semaphore_mem>>) {add = true}
      %add3A_74 = arith.constant 1 : i32
      %add3A_75 = arith.addi %scan3A_41, %add3A_74 : i32
      %lt3A = arith.constant 40 : i32
      %lt3A_76 = arith.cmpi slt, %add3A_75, %lt3A : i32
      %convert_element_type3A_77 = arith.extui %lt3A_76 : i1 to i32
      %cond3A_78 = arith.constant 0 : i32
      %cond3A_79 = arith.cmpi ne, %convert_element_type3A_77, %cond3A_78 : i32
      scf.if %cond3A_79 {
        %dma_wait3A_80 = arith.constant 0 : i32
        %dma_wait3A_81 = tpu.memref_slice %arg9[%mul3A_43, %dma_wait3A_80] : memref<80x128xi32, #tpu.memory_space<vmem>> -> memref<1x128xi32, #tpu.memory_space<vmem>>
        %dma_wait3A_82 = tpu.memref_squeeze %dma_wait3A_81 : memref<1x128xi32, #tpu.memory_space<vmem>> -> memref<128xi32, #tpu.memory_space<vmem>>
        %dma_wait3A_83 = arith.constant 0 : i32
        %dma_wait3A_84 = arith.constant 0 : i32
        %dma_wait3A_85 = tpu.memref_slice %arg13[%dma_wait3A_83, %dma_wait3A_84] : memref<10240x128xf32, #tpu.memory_space<vmem_shared>> -> memref<10240x128xf32, #tpu.memory_space<vmem_shared>>
        tpu.wait_indirect_dma semaphore(%arg16 : memref<!tpu.dma_semaphore, #tpu.memory_space<semaphore_mem>>) src(%arg10 : memref<128x128xf32, #tpu.memory_space<vmem>>) dst(%dma_wait3A_85 : memref<10240x128xf32, #tpu.memory_space<vmem_shared>>)
        %add3A_86 = arith.constant 2 : i32
        %add3A_87 = arith.addi %mul3A_43, %add3A_86 : i32
        %mul3A_88 = arith.constant 128 : i32
        %mul3A_89 = arith.muli %add3A_87, %mul3A_88 : i32
        %add3A_90 = arith.addi %mul3A_4, %mul3A_89 : i32
        "tpu.region"() ({
          %run_scoped3A = tpu.sem_alloc : memref<!tpu.dma_semaphore, #tpu.memory_space<semaphore_mem>>
          %dma_start3A_94 = tpu.memref_slice %arg3[%add3A_90] : memref<327680xi32, #tpu.memory_space<hbm>> -> memref<128xi32, #tpu.memory_space<hbm>>
          %dma_start3A_95 = tpu.memref_slice %arg3[%add3A_90] : memref<327680xi32, #tpu.memory_space<hbm>> -> memref<128xi32, #tpu.memory_space<hbm>>
          tpu.enqueue_dma source(%dma_start3A_95 : memref<128xi32, #tpu.memory_space<hbm>>) target(%arg7 : memref<128xi32, #tpu.memory_space<vmem>>) target_semaphore(%run_scoped3A : memref<!tpu.dma_semaphore, #tpu.memory_space<semaphore_mem>>)
          %dma_wait3A_96 = tpu.memref_slice %arg3[%add3A_90] : memref<327680xi32, #tpu.memory_space<hbm>> -> memref<128xi32, #tpu.memory_space<hbm>>
          %dma_wait3A_97 = tpu.memref_slice %arg3[%add3A_90] : memref<327680xi32, #tpu.memory_space<hbm>> -> memref<128xi32, #tpu.memory_space<hbm>>
          tpu.wait_dma2 semaphore(%run_scoped3A : memref<!tpu.dma_semaphore, #tpu.memory_space<semaphore_mem>>) src(%dma_wait3A_97 : memref<128xi32, #tpu.memory_space<hbm>>) dst(%arg7 : memref<128xi32, #tpu.memory_space<vmem>>)
          tpu.yield
        }) : () -> ()
        %dma_start3A_91 = arith.constant 0 : i32
        %dma_start3A_92 = arith.constant 0 : i32
        %dma_start3A_93 = tpu.memref_slice %arg2[%dma_start3A_91, %dma_start3A_92] : memref<10000x128xf32, #tpu.memory_space<hbm>> -> memref<10000x128xf32, #tpu.memory_space<hbm>>
        tpu.enqueue_indirect_dma source(%dma_start3A_93 : memref<10000x128xf32, #tpu.memory_space<hbm>>) target(%arg10 : memref<128x128xf32, #tpu.memory_space<vmem>>) offsets(%arg7 : memref<128xi32, #tpu.memory_space<vmem>>) semaphore(%arg14 : memref<!tpu.dma_semaphore, #tpu.memory_space<semaphore_mem>>)
      } else {
      }
    }
    %scan3A_19 = arith.constant 40 : i32
    %dma_wait3A = arith.constant 78 : i32
    %dma_wait3A_20 = arith.constant 0 : i32
    %dma_wait3A_21 = tpu.memref_slice %arg9[%dma_wait3A, %dma_wait3A_20] : memref<80x128xi32, #tpu.memory_space<vmem>> -> memref<1x128xi32, #tpu.memory_space<vmem>>
    %dma_wait3A_22 = tpu.memref_squeeze %dma_wait3A_21 : memref<1x128xi32, #tpu.memory_space<vmem>> -> memref<128xi32, #tpu.memory_space<vmem>>
    %dma_wait3A_23 = arith.constant 0 : i32
    %dma_wait3A_24 = arith.constant 0 : i32
    %dma_wait3A_25 = tpu.memref_slice %arg13[%dma_wait3A_23, %dma_wait3A_24] : memref<10240x128xf32, #tpu.memory_space<vmem_shared>> -> memref<10240x128xf32, #tpu.memory_space<vmem_shared>>
    tpu.wait_indirect_dma semaphore(%arg16 : memref<!tpu.dma_semaphore, #tpu.memory_space<semaphore_mem>>) src(%arg10 : memref<128x128xf32, #tpu.memory_space<vmem>>) dst(%dma_wait3A_25 : memref<10240x128xf32, #tpu.memory_space<vmem_shared>>)
    %dma_wait3A_26 = arith.constant 79 : i32
    %dma_wait3A_27 = arith.constant 0 : i32
    %dma_wait3A_28 = tpu.memref_slice %arg9[%dma_wait3A_26, %dma_wait3A_27] : memref<80x128xi32, #tpu.memory_space<vmem>> -> memref<1x128xi32, #tpu.memory_space<vmem>>
    %dma_wait3A_29 = tpu.memref_squeeze %dma_wait3A_28 : memref<1x128xi32, #tpu.memory_space<vmem>> -> memref<128xi32, #tpu.memory_space<vmem>>
    %dma_wait3A_30 = arith.constant 0 : i32
    %dma_wait3A_31 = arith.constant 0 : i32
    %dma_wait3A_32 = tpu.memref_slice %arg13[%dma_wait3A_30, %dma_wait3A_31] : memref<10240x128xf32, #tpu.memory_space<vmem_shared>> -> memref<10240x128xf32, #tpu.memory_space<vmem_shared>>
    tpu.wait_indirect_dma semaphore(%arg17 : memref<!tpu.dma_semaphore, #tpu.memory_space<semaphore_mem>>) src(%arg11 : memref<128x128xf32, #tpu.memory_space<vmem>>) dst(%dma_wait3A_32 : memref<10240x128xf32, #tpu.memory_space<vmem_shared>>)
    %barrier3A_33 = arith.constant 0 : index
    tpu.barrier barrier_id(%barrier3A_33)
    %mul3A_34 = arith.constant 640 : i32
    %mul3A_35 = arith.muli %arg1, %mul3A_34 : i32
    %mul3A_36 = arith.constant 10240 : i32
    %mul3A_37 = arith.muli %arg0, %mul3A_36 : i32
    %mul3A_38 = arith.constant 640 : i32
    %mul3A_39 = arith.muli %arg1, %mul3A_38 : i32
    %add3A_40 = arith.addi %mul3A_37, %mul3A_39 : i32
    "tpu.region"() ({
      %run_scoped3A = tpu.sem_alloc : memref<!tpu.dma_semaphore, #tpu.memory_space<semaphore_mem>>
      %dma_start3A_41 = arith.constant 0 : i32
      %dma_start3A_42 = tpu.memref_slice %arg6[%add3A_40, %dma_start3A_41] : memref<20480x128xf32, #tpu.memory_space<hbm>> -> memref<640x128xf32, #tpu.memory_space<hbm>>
      %dma_start3A_43 = arith.constant 0 : i32
      %dma_start3A_44 = tpu.memref_slice %arg13[%mul3A_35, %dma_start3A_43] : memref<10240x128xf32, #tpu.memory_space<vmem_shared>> -> memref<640x128xf32, #tpu.memory_space<vmem_shared>>
      tpu.enqueue_dma source(%dma_start3A_44 : memref<640x128xf32, #tpu.memory_space<vmem_shared>>) target(%dma_start3A_42 : memref<640x128xf32, #tpu.memory_space<hbm>>) target_semaphore(%run_scoped3A : memref<!tpu.dma_semaphore, #tpu.memory_space<semaphore_mem>>)
      %dma_wait3A_45 = arith.constant 0 : i32
      %dma_wait3A_46 = tpu.memref_slice %arg6[%add3A_40, %dma_wait3A_45] : memref<20480x128xf32, #tpu.memory_space<hbm>> -> memref<640x128xf32, #tpu.memory_space<hbm>>
      %dma_wait3A_47 = arith.constant 0 : i32
      %dma_wait3A_48 = tpu.memref_slice %arg13[%mul3A_35, %dma_wait3A_47] : memref<10240x128xf32, #tpu.memory_space<vmem_shared>> -> memref<640x128xf32, #tpu.memory_space<vmem_shared>>
      tpu.wait_dma2 semaphore(%run_scoped3A : memref<!tpu.dma_semaphore, #tpu.memory_space<semaphore_mem>>) src(%dma_wait3A_48 : memref<640x128xf32, #tpu.memory_space<vmem_shared>>) dst(%dma_wait3A_46 : memref<640x128xf32, #tpu.memory_space<hbm>>)
      tpu.yield
    }) : () -> ()
    return
  }
}

module attributes {stable_mosaic.version = 14 : i64} {
  func.func @_tc_in_body(%arg0: memref<10000x128xf32, #tpu.memory_space<vmem>>, %arg1: memref<128x128xf32, #tpu.memory_space<vmem>>, %arg2: memref<1x128xf32, #tpu.memory_space<vmem>>, %arg3: memref<1x128xf32, #tpu.memory_space<vmem>>, %arg4: memref<1x128xf32, #tpu.memory_space<vmem>>, %arg5: memref<128x128xf32, #tpu.memory_space<vmem>>, %arg6: memref<10000x1xf32, #tpu.memory_space<vmem>>, %arg7: memref<10000x1xf32, #tpu.memory_space<vmem>>, %arg8: memref<10000x1xf32, #tpu.memory_space<vmem>>, %arg9: memref<10000x128xf32, #tpu.memory_space<vmem>>) attributes {dimension_semantics = [], scalar_prefetch = 0 : i64, scratch_operands = 0 : i64, tpu.core_type = #tpu.core_type<tc>} {
    %get3A = arith.constant 0 : index
    %get3A_0 = arith.constant 0 : index
    %get3A_1 = vector.load %arg0[%get3A, %get3A_0] : memref<10000x128xf32, #tpu.memory_space<vmem>>, vector<10000x128xf32>
    %get3A_2 = arith.constant 0 : index
    %get3A_3 = arith.constant 0 : index
    %get3A_4 = vector.load %arg1[%get3A_2, %get3A_3] : memref<128x128xf32, #tpu.memory_space<vmem>>, vector<128x128xf32>
    %dot_general3A = arith.constant dense<0.000000e+00> : vector<10000x128xf32>
    %dot_general3A_5 = tpu.matmul %get3A_1, %get3A_4, %dot_general3A {dimension_numbers = #tpu.dot_dimension_numbers<[1], [0], [0], [1], [0, 0, 1, 1], [], []>, transpose_lhs_hint = false} : vector<10000x128xf32>, vector<128x128xf32>, vector<10000x128xf32> -> vector<10000x128xf32>
    %get3A_6 = arith.constant 0 : index
    %get3A_7 = arith.constant 0 : index
    %get3A_8 = vector.load %arg2[%get3A_6, %get3A_7] : memref<1x128xf32, #tpu.memory_space<vmem>>, vector<1x128xf32>
    %add3A = vector.broadcast %get3A_8 : vector<1x128xf32> to vector<10000x128xf32>
    %add3A_9 = arith.addf %dot_general3A_5, %add3A : vector<10000x128xf32>
    %get3A_10 = arith.constant 0 : index
    %get3A_11 = arith.constant 0 : index
    %get3A_12 = vector.load %arg3[%get3A_10, %get3A_11] : memref<1x128xf32, #tpu.memory_space<vmem>>, vector<1x128xf32>
    %get3A_13 = arith.constant 0 : index
    %get3A_14 = arith.constant 0 : index
    %get3A_15 = vector.load %arg4[%get3A_13, %get3A_14] : memref<1x128xf32, #tpu.memory_space<vmem>>, vector<1x128xf32>
    %reduce_sum3A = arith.constant dense<0.000000e+00> : vector<128xf32>
    %reduce_sum3A_16 = vector.multi_reduction <add>, %add3A_9, %reduce_sum3A [0] : vector<10000x128xf32> to vector<128xf32>
    %broadcast_in_dim3A = vector.shape_cast %reduce_sum3A_16 : vector<128xf32> to vector<1x128xf32>
    %div3A = arith.constant 1.000000e+04 : f32
    %div3A_17 = vector.broadcast %div3A : f32 to vector<1x128xf32>
    %div3A_18 = arith.divf %broadcast_in_dim3A, %div3A_17 : vector<1x128xf32>
    %sub3A = vector.broadcast %div3A_18 : vector<1x128xf32> to vector<10000x128xf32>
    %sub3A_19 = arith.subf %add3A_9, %sub3A : vector<10000x128xf32>
    %sub3A_20 = vector.broadcast %div3A_18 : vector<1x128xf32> to vector<10000x128xf32>
    %sub3A_21 = arith.subf %add3A_9, %sub3A_20 : vector<10000x128xf32>
    %mul3A = arith.mulf %sub3A_19, %sub3A_21 : vector<10000x128xf32>
    %reduce_sum3A_22 = arith.constant dense<0.000000e+00> : vector<128xf32>
    %reduce_sum3A_23 = vector.multi_reduction <add>, %mul3A, %reduce_sum3A_22 [0] : vector<10000x128xf32> to vector<128xf32>
    %broadcast_in_dim3A_24 = vector.shape_cast %reduce_sum3A_23 : vector<128xf32> to vector<1x128xf32>
    %div3A_25 = arith.constant 1.000000e+04 : f32
    %div3A_26 = vector.broadcast %div3A_25 : f32 to vector<1x128xf32>
    %div3A_27 = arith.divf %broadcast_in_dim3A_24, %div3A_26 : vector<1x128xf32>
    %sub3A_28 = vector.broadcast %div3A_18 : vector<1x128xf32> to vector<10000x128xf32>
    %sub3A_29 = arith.subf %add3A_9, %sub3A_28 : vector<10000x128xf32>
    %add3A_30 = arith.constant 9.99999974E-6 : f32
    %add3A_31 = vector.broadcast %add3A_30 : f32 to vector<1x128xf32>
    %add3A_32 = arith.addf %div3A_27, %add3A_31 : vector<1x128xf32>
    %rsqrt3A = math.rsqrt %add3A_32 : vector<1x128xf32>
    %mul3A_33 = vector.broadcast %rsqrt3A : vector<1x128xf32> to vector<10000x128xf32>
    %mul3A_34 = arith.mulf %sub3A_29, %mul3A_33 : vector<10000x128xf32>
    %mul3A_35 = vector.broadcast %get3A_12 : vector<1x128xf32> to vector<10000x128xf32>
    %mul3A_36 = arith.mulf %mul3A_34, %mul3A_35 : vector<10000x128xf32>
    %add3A_37 = vector.broadcast %get3A_15 : vector<1x128xf32> to vector<10000x128xf32>
    %add3A_38 = arith.addf %mul3A_36, %add3A_37 : vector<10000x128xf32>
    %max3A = arith.constant 0.000000e+00 : f32
    %max3A_39 = vector.broadcast %max3A : f32 to vector<10000x128xf32>
    %max3A_40 = arith.maximumf %add3A_38, %max3A_39 : vector<10000x128xf32>
    %get3A_41 = arith.constant 0 : index
    %get3A_42 = arith.constant 0 : index
    %get3A_43 = vector.load %arg6[%get3A_41, %get3A_42] : memref<10000x1xf32, #tpu.memory_space<vmem>>, vector<10000x1xf32>
    %get3A_44 = arith.constant 0 : index
    %get3A_45 = arith.constant 0 : index
    %get3A_46 = vector.load %arg7[%get3A_44, %get3A_45] : memref<10000x1xf32, #tpu.memory_space<vmem>>, vector<10000x1xf32>
    %add3A_47 = arith.addf %get3A_43, %get3A_46 : vector<10000x1xf32>
    %add3A_48 = arith.constant 1.000000e+00 : f32
    %add3A_49 = vector.broadcast %add3A_48 : f32 to vector<10000x1xf32>
    %add3A_50 = arith.addf %add3A_47, %add3A_49 : vector<10000x1xf32>
    %rsqrt3A_51 = math.rsqrt %add3A_50 : vector<10000x1xf32>
    %swap3A = arith.constant 0 : index
    %swap3A_52 = arith.constant 0 : index
    %swap3A_53 = vector.load %arg8[%swap3A, %swap3A_52] : memref<10000x1xf32, #tpu.memory_space<vmem>>, vector<10000x1xf32>
    tpu.vector_store %arg8[%swap3A, %swap3A_52], %rsqrt3A_51 {strides = array<i32>} : memref<10000x1xf32, #tpu.memory_space<vmem>>, vector<10000x1xf32>,
    %get3A_54 = arith.constant 0 : index
    %get3A_55 = arith.constant 0 : index
    %get3A_56 = vector.load %arg5[%get3A_54, %get3A_55] : memref<128x128xf32, #tpu.memory_space<vmem>>, vector<128x128xf32>
    %dot_general3A_57 = arith.constant dense<0.000000e+00> : vector<10000x128xf32>
    %dot_general3A_58 = tpu.matmul %max3A_40, %get3A_56, %dot_general3A_57 {dimension_numbers = #tpu.dot_dimension_numbers<[1], [0], [0], [1], [0, 0, 1, 1], [], []>, transpose_lhs_hint = false} : vector<10000x128xf32>, vector<128x128xf32>, vector<10000x128xf32> -> vector<10000x128xf32>
    %mul3A_59 = vector.broadcast %rsqrt3A_51 : vector<10000x1xf32> to vector<10000x128xf32>
    %mul3A_60 = arith.mulf %dot_general3A_58, %mul3A_59 : vector<10000x128xf32>
    %swap3A_61 = arith.constant 0 : index
    %swap3A_62 = arith.constant 0 : index
    %swap3A_63 = vector.load %arg9[%swap3A_61, %swap3A_62] : memref<10000x128xf32, #tpu.memory_space<vmem>>, vector<10000x128xf32>
    tpu.vector_store %arg9[%swap3A_61, %swap3A_62], %mul3A_60 {strides = array<i32>} : memref<10000x128xf32, #tpu.memory_space<vmem>>, vector<10000x128xf32>,
    return
  }
}

module attributes {stable_mosaic.version = 14 : i64} {
  func.func @_tc_mid_body(%arg0: memref<20480x128xf32, #tpu.memory_space<vmem>>, %arg1: memref<10000x128xf32, #tpu.memory_space<vmem>>, %arg2: memref<10000x1xf32, #tpu.memory_space<vmem>>, %arg3: memref<1x128xf32, #tpu.memory_space<vmem>>, %arg4: memref<1x128xf32, #tpu.memory_space<vmem>>, %arg5: memref<1x128xf32, #tpu.memory_space<vmem>>, %arg6: memref<128x128xf32, #tpu.memory_space<vmem>>, %arg7: memref<10000x128xf32, #tpu.memory_space<vmem>>) attributes {dimension_semantics = [], scalar_prefetch = 0 : i64, scratch_operands = 0 : i64, tpu.core_type = #tpu.core_type<tc>} {
    %get3A = arith.constant 0 : index
    %get3A_0 = arith.constant 0 : index
    %get3A_1 = vector.load %arg2[%get3A, %get3A_0] : memref<10000x1xf32, #tpu.memory_space<vmem>>, vector<10000x1xf32>
    %get3A_2 = arith.constant 0 : index
    %get3A_3 = arith.constant 0 : index
    %get3A_4 = vector.load %arg0[%get3A_2, %get3A_3] : memref<20480x128xf32, #tpu.memory_space<vmem>>, vector<10000x128xf32>
    %get3A_5 = arith.constant 10240 : index
    %get3A_6 = arith.constant 0 : index
    %get3A_7 = vector.load %arg0[%get3A_5, %get3A_6] : memref<20480x128xf32, #tpu.memory_space<vmem>>, vector<10000x128xf32>
    %add3A = arith.addf %get3A_4, %get3A_7 : vector<10000x128xf32>
    %get3A_8 = arith.constant 0 : index
    %get3A_9 = arith.constant 0 : index
    %get3A_10 = vector.load %arg1[%get3A_8, %get3A_9] : memref<10000x128xf32, #tpu.memory_space<vmem>>, vector<10000x128xf32>
    %add3A_11 = arith.addf %add3A, %get3A_10 : vector<10000x128xf32>
    %mul3A = vector.broadcast %get3A_1 : vector<10000x1xf32> to vector<10000x128xf32>
    %mul3A_12 = arith.mulf %add3A_11, %mul3A : vector<10000x128xf32>
    %get3A_13 = arith.constant 0 : index
    %get3A_14 = arith.constant 0 : index
    %get3A_15 = vector.load %arg3[%get3A_13, %get3A_14] : memref<1x128xf32, #tpu.memory_space<vmem>>, vector<1x128xf32>
    %add3A_16 = vector.broadcast %get3A_15 : vector<1x128xf32> to vector<10000x128xf32>
    %add3A_17 = arith.addf %mul3A_12, %add3A_16 : vector<10000x128xf32>
    %get3A_18 = arith.constant 0 : index
    %get3A_19 = arith.constant 0 : index
    %get3A_20 = vector.load %arg4[%get3A_18, %get3A_19] : memref<1x128xf32, #tpu.memory_space<vmem>>, vector<1x128xf32>
    %get3A_21 = arith.constant 0 : index
    %get3A_22 = arith.constant 0 : index
    %get3A_23 = vector.load %arg5[%get3A_21, %get3A_22] : memref<1x128xf32, #tpu.memory_space<vmem>>, vector<1x128xf32>
    %reduce_sum3A = arith.constant dense<0.000000e+00> : vector<128xf32>
    %reduce_sum3A_24 = vector.multi_reduction <add>, %add3A_17, %reduce_sum3A [0] : vector<10000x128xf32> to vector<128xf32>
    %broadcast_in_dim3A = vector.shape_cast %reduce_sum3A_24 : vector<128xf32> to vector<1x128xf32>
    %div3A = arith.constant 1.000000e+04 : f32
    %div3A_25 = vector.broadcast %div3A : f32 to vector<1x128xf32>
    %div3A_26 = arith.divf %broadcast_in_dim3A, %div3A_25 : vector<1x128xf32>
    %sub3A = vector.broadcast %div3A_26 : vector<1x128xf32> to vector<10000x128xf32>
    %sub3A_27 = arith.subf %add3A_17, %sub3A : vector<10000x128xf32>
    %sub3A_28 = vector.broadcast %div3A_26 : vector<1x128xf32> to vector<10000x128xf32>
    %sub3A_29 = arith.subf %add3A_17, %sub3A_28 : vector<10000x128xf32>
    %mul3A_30 = arith.mulf %sub3A_27, %sub3A_29 : vector<10000x128xf32>
    %reduce_sum3A_31 = arith.constant dense<0.000000e+00> : vector<128xf32>
    %reduce_sum3A_32 = vector.multi_reduction <add>, %mul3A_30, %reduce_sum3A_31 [0] : vector<10000x128xf32> to vector<128xf32>
    %broadcast_in_dim3A_33 = vector.shape_cast %reduce_sum3A_32 : vector<128xf32> to vector<1x128xf32>
    %div3A_34 = arith.constant 1.000000e+04 : f32
    %div3A_35 = vector.broadcast %div3A_34 : f32 to vector<1x128xf32>
    %div3A_36 = arith.divf %broadcast_in_dim3A_33, %div3A_35 : vector<1x128xf32>
    %sub3A_37 = vector.broadcast %div3A_26 : vector<1x128xf32> to vector<10000x128xf32>
    %sub3A_38 = arith.subf %add3A_17, %sub3A_37 : vector<10000x128xf32>
    %add3A_39 = arith.constant 9.99999974E-6 : f32
    %add3A_40 = vector.broadcast %add3A_39 : f32 to vector<1x128xf32>
    %add3A_41 = arith.addf %div3A_36, %add3A_40 : vector<1x128xf32>
    %rsqrt3A = math.rsqrt %add3A_41 : vector<1x128xf32>
    %mul3A_42 = vector.broadcast %rsqrt3A : vector<1x128xf32> to vector<10000x128xf32>
    %mul3A_43 = arith.mulf %sub3A_38, %mul3A_42 : vector<10000x128xf32>
    %mul3A_44 = vector.broadcast %get3A_20 : vector<1x128xf32> to vector<10000x128xf32>
    %mul3A_45 = arith.mulf %mul3A_43, %mul3A_44 : vector<10000x128xf32>
    %add3A_46 = vector.broadcast %get3A_23 : vector<1x128xf32> to vector<10000x128xf32>
    %add3A_47 = arith.addf %mul3A_45, %add3A_46 : vector<10000x128xf32>
    %max3A = arith.constant 0.000000e+00 : f32
    %max3A_48 = vector.broadcast %max3A : f32 to vector<10000x128xf32>
    %max3A_49 = arith.maximumf %add3A_47, %max3A_48 : vector<10000x128xf32>
    %get3A_50 = arith.constant 0 : index
    %get3A_51 = arith.constant 0 : index
    %get3A_52 = vector.load %arg6[%get3A_50, %get3A_51] : memref<128x128xf32, #tpu.memory_space<vmem>>, vector<128x128xf32>
    %dot_general3A = arith.constant dense<0.000000e+00> : vector<10000x128xf32>
    %dot_general3A_53 = tpu.matmul %max3A_49, %get3A_52, %dot_general3A {dimension_numbers = #tpu.dot_dimension_numbers<[1], [0], [0], [1], [0, 0, 1, 1], [], []>, transpose_lhs_hint = false} : vector<10000x128xf32>, vector<128x128xf32>, vector<10000x128xf32> -> vector<10000x128xf32>
    %mul3A_54 = vector.broadcast %get3A_1 : vector<10000x1xf32> to vector<10000x128xf32>
    %mul3A_55 = arith.mulf %dot_general3A_53, %mul3A_54 : vector<10000x128xf32>
    %swap3A = arith.constant 0 : index
    %swap3A_56 = arith.constant 0 : index
    %swap3A_57 = vector.load %arg7[%swap3A, %swap3A_56] : memref<10000x128xf32, #tpu.memory_space<vmem>>, vector<10000x128xf32>
    tpu.vector_store %arg7[%swap3A, %swap3A_56], %mul3A_55 {strides = array<i32>} : memref<10000x128xf32, #tpu.memory_space<vmem>>, vector<10000x128xf32>,
    return
  }
}

module attributes {stable_mosaic.version = 14 : i64} {
  func.func @_tc_out_body(%arg0: memref<20480x128xf32, #tpu.memory_space<vmem>>, %arg1: memref<10000x128xf32, #tpu.memory_space<vmem>>, %arg2: memref<10000x1xf32, #tpu.memory_space<vmem>>, %arg3: memref<1x128xf32, #tpu.memory_space<vmem>>, %arg4: memref<128x64xf32, #tpu.memory_space<vmem>>, %arg5: memref<1x64xf32, #tpu.memory_space<vmem>>, %arg6: memref<10000x64xf32, #tpu.memory_space<vmem>>) attributes {dimension_semantics = [], scalar_prefetch = 0 : i64, scratch_operands = 0 : i64, tpu.core_type = #tpu.core_type<tc>} {
    %get3A = arith.constant 0 : index
    %get3A_0 = arith.constant 0 : index
    %get3A_1 = vector.load %arg0[%get3A, %get3A_0] : memref<20480x128xf32, #tpu.memory_space<vmem>>, vector<10000x128xf32>
    %get3A_2 = arith.constant 10240 : index
    %get3A_3 = arith.constant 0 : index
    %get3A_4 = vector.load %arg0[%get3A_2, %get3A_3] : memref<20480x128xf32, #tpu.memory_space<vmem>>, vector<10000x128xf32>
    %add3A = arith.addf %get3A_1, %get3A_4 : vector<10000x128xf32>
    %get3A_5 = arith.constant 0 : index
    %get3A_6 = arith.constant 0 : index
    %get3A_7 = vector.load %arg1[%get3A_5, %get3A_6] : memref<10000x128xf32, #tpu.memory_space<vmem>>, vector<10000x128xf32>
    %add3A_8 = arith.addf %add3A, %get3A_7 : vector<10000x128xf32>
    %get3A_9 = arith.constant 0 : index
    %get3A_10 = arith.constant 0 : index
    %get3A_11 = vector.load %arg2[%get3A_9, %get3A_10] : memref<10000x1xf32, #tpu.memory_space<vmem>>, vector<10000x1xf32>
    %mul3A = vector.broadcast %get3A_11 : vector<10000x1xf32> to vector<10000x128xf32>
    %mul3A_12 = arith.mulf %add3A_8, %mul3A : vector<10000x128xf32>
    %get3A_13 = arith.constant 0 : index
    %get3A_14 = arith.constant 0 : index
    %get3A_15 = vector.load %arg3[%get3A_13, %get3A_14] : memref<1x128xf32, #tpu.memory_space<vmem>>, vector<1x128xf32>
    %add3A_16 = vector.broadcast %get3A_15 : vector<1x128xf32> to vector<10000x128xf32>
    %add3A_17 = arith.addf %mul3A_12, %add3A_16 : vector<10000x128xf32>
    %get3A_18 = arith.constant 0 : index
    %get3A_19 = arith.constant 0 : index
    %get3A_20 = vector.load %arg4[%get3A_18, %get3A_19] : memref<128x64xf32, #tpu.memory_space<vmem>>, vector<128x64xf32>
    %dot_general3A = arith.constant dense<0.000000e+00> : vector<10000x64xf32>
    %dot_general3A_21 = tpu.matmul %add3A_17, %get3A_20, %dot_general3A {dimension_numbers = #tpu.dot_dimension_numbers<[1], [0], [0], [1], [0, 0, 1, 1], [], []>, transpose_lhs_hint = false} : vector<10000x128xf32>, vector<128x64xf32>, vector<10000x64xf32> -> vector<10000x64xf32>
    %get3A_22 = arith.constant 0 : index
    %get3A_23 = arith.constant 0 : index
    %get3A_24 = vector.load %arg5[%get3A_22, %get3A_23] : memref<1x64xf32, #tpu.memory_space<vmem>>, vector<1x64xf32>
    %add3A_25 = vector.broadcast %get3A_24 : vector<1x64xf32> to vector<10000x64xf32>
    %add3A_26 = arith.addf %dot_general3A_21, %add3A_25 : vector<10000x64xf32>
    %swap3A = arith.constant 0 : index
    %swap3A_27 = arith.constant 0 : index
    %swap3A_28 = vector.load %arg6[%swap3A, %swap3A_27] : memref<10000x64xf32, #tpu.memory_space<vmem>>, vector<10000x64xf32>
    tpu.vector_store %arg6[%swap3A, %swap3A_27], %add3A_26 {strides = array<i32>} : memref<10000x64xf32, #tpu.memory_space<vmem>>, vector<10000x64xf32>,
    return
  }
}

</mosaic_0001>

<sc_bundles>
// kernel: kernel.10.cloned.1.call-start
scs
__scs_entry_jumppad:
0x0: {  	(pc) =	sbr.rel $0x88, $3  }
0x1: {  	(tag) =	ssettag $0x0;
	lr =	simm.s32 $0x1  }
0x2: {  	[smem:$0x3F8F] =	sst lr;
	_ =	strace $0xD0000000  }
0x3: {  	_ = 	snop  }
0x4: {  	_ = 	snop  }
0x5: {  	_ = 	snop  }
0x6: {  	_ = 	snop  }
0x7: {  	_ = 	snop  }
__scs_overlays_trampoline_lowered:
0x8: {  	[smem:$0x3F9E] =	sst s0  }
0x9: {  	[smem:$0x3F9F] =	sst s1  }
0xa: {  	[smem:$0x3FA0] =	sst s2  }
0xb: {  	[smem:$0x3FA1] =	sst s3  }
0xc: {  	[smem:$0x3FA2] =	sst s4  }
0xd: {  	[smem:$0x3FA3] =	sst s5  }
0xe: {  	[smem:$0x3FA4] =	sst s6  }
0xf: {  	[smem:$0x3FA5] =	sst s7  }
0x10: {  	[smem:$0x3FA6] =	sst s8  }
0x11: {  	[smem:$0x3FA7] =	sst s9;
	s0 =	simm.s32 @!p0 $0x0  }
0x12: {  	s1 =	sld [smem:$0x3F8D];
	s0 =	simm.s32 @p0 $0x1  }
0x13: {  	[smem:$0x3FA8] =	sst s0;
	s0 =	simm.s32 @!p1 $0x0  }
0x14: {  	s2 =	sld [smem:$0x3F8C];
	s0 =	simm.s32 @p1 $0x1  }
0x15: {  	[smem:$0x3FA9] =	sst s0;
	s0 =	simm.s32 @!p2 $0x0  }
0x16: {  	s3 =	sld [smem:$0x3FDB];
	s0 =	simm.s32 @p2 $0x1  }
0x17: {  	s4 =	simm.s32 $0x1BF5;
	[smem:$0x3FAB] =	sst s0  }
0x18: {  	s0 =	sld [smem:$0x3F8E];
	_ =	swait.ge [sflag:s4], $0x0  }
0x19: {  	s7 =	sld [smem:$0x3F8F]  }
0x1a: {  	s8 =	sadd.s32 $0xFFFFE003, lr  }
0x1b: {  	s9 =	sadd.s32 $0xFFFFFEF7, lr;
	s5 =	simm.s32 $0xFFFFFFFF;
	p2 =	slt.u32 s8, $0xFFFFF086  }
0x1c: {  	p1 =	slt.u32 s9, $0xF7A;
	s5 =	simm.s32 @!p2 $0x0  }
0x1d: {  	s5 =	simm.s32 @p1 $0x1;
	p0 =	seq.s32 s7, s2  }
0x1e: {  	s7 =	smul.u32 @!p0 $0xF7A, s2;
	p2 =	seq.s32 @!p0 s5, $0x0  }
0x1f: {  	s9 =	smul.u32 $0xF7A, s1;
	s8 =	simm.s32 @!p0 $0x1BF5;
	p2 =	por !p2, p0  }
0x20: {  	[sflag:s8] =	ssyncset.s32 @!p0 $0xFFFFF086;
	s6 =	sadd.s32 @!p0 s3, s7;
	s7 =	simm.s32 @!p0 $0x108  }
0x21: {  	s3 =	sadd.s32 s3, s9;
	s6 =	sadd.s32 @!p0 $0x88, s6;
	s7 =	simm.s32 @p2 $0x1082  }
0x22: {  	[simem:s7], [sflag:s8] =	dma.local @!p0 [hbm:s6], $0xF7A  }
0x23: {  	s9 =	sor.u32 $0xD0000000, s2;
	s6 =	simm.s32 $0x108;
	_ =	swait.ge @!p0 [sflag:s8], $0x0  }
0x24: {  	s3 =	sadd.s32 $0x88, s3;
	s6 =	simm.s32 @!p1 $0x1082;
	[sflag:s4] =	ssyncset.s32 $0xFFFFF086  }
0x25: {  	[simem:s6], [sflag:s4] =	dma.local [hbm:s3], $0xF7A  }
0x26: {  	[smem:$0x3F8F] =	sst s1;
	(tag) =	ssettag s2;
	_ =	strace s9  }
0x27: {  	s1 =	sld [smem:$0x3F9F]  }
0x28: {  	s2 =	sld [smem:$0x3FA0]  }
0x29: {  	s4 =	sld [smem:$0x3FA2]  }
0x2a: {  	p0 =	seq.s32 s5, $0x0;
	s5 =	sld [smem:$0x3FA3]  }
0x2b: {  	s6 =	sld [smem:$0x3FA4]  }
0x2c: {  	s7 =	sld [smem:$0x3FA5]  }
0x2d: {  	s3 =	simm.s32 $0x108;
	s8 =	sld [smem:$0x3FA6]  }
0x2e: {  	s3 =	simm.s32 @!p0 $0x1082;
	s9 =	sld [smem:$0x3FA7]  }
0x2f: {  	lr =	sadd.s32 s0, s3;
	s0 =	sld [smem:$0x3F9E]  }
0x30: {  	s3 =	sld [smem:$0x3FA1]  }
0x31: {  	[smem:$0x3FAA] =	sst s10  }
0x32: {  	s10 =	sld [smem:$0x3FA8];
	_ =	sdelay $0x3  }
0x33: {  	p0 =	seq.s32 s10, $0x1;
	s10 =	sld [smem:$0x3FAA];
	_ =	sdelay $0x3  }
0x34: {  	[smem:$0x3FAA] =	sst s10  }
0x35: {  	s10 =	sld [smem:$0x3FA9];
	_ =	sdelay $0x3  }
0x36: {  	p1 =	seq.s32 s10, $0x1;
	s10 =	sld [smem:$0x3FAA];
	_ =	sdelay $0x3  }
0x37: {  	[smem:$0x3FAA] =	sst s10  }
0x38: {  	s10 =	sld [smem:$0x3FAB]  }
0x39: {  	_ = 	snop;
	(pc) =	sbr.ind lr, $3  }
0x3a: {  	_ = 	snop  }
0x3b: {  	_ = 	snop  }
0x3c: {  	p2 =	seq.s32 s10, $0x1;
	s10 =	sld [smem:$0x3FAA]  }
0x3d: {  	_ =	shalt  }
0x3e: {  	_ =	shalt  }
0x3f: {  	_ =	shalt  }
0x40: {  	_ =	shalt  }
0x41: {  	_ =	shalt  }
0x42: {  	_ =	shalt  }
0x43: {  	_ =	shalt  }
0x44: {  	_ =	shalt  }
0x45: {  	_ =	shalt  }
0x46: {  	_ =	shalt  }
0x47: {  	_ =	shalt  }
0x48: {  	_ =	shalt  }
0x49: {  	_ =	shalt  }
0x4a: {  	_ =	shalt  }
0x4b: {  	_ =	shalt  }
0x4c: {  	_ =	shalt  }
0x4d: {  	_ =	shalt  }
0x4e: {  	_ =	shalt  }
0x4f: {  	_ =	shalt  }
0x50: {  	_ =	shalt  }
0x51: {  	_ =	shalt  }
0x52: {  	_ =	shalt  }
0x53: {  	_ =	shalt  }
0x54: {  	_ =	shalt  }
0x55: {  	_ =	shalt  }
0x56: {  	_ =	shalt  }
0x57: {  	_ =	shalt  }
0x58: {  	_ =	shalt  }
0x59: {  	_ =	shalt  }
0x5a: {  	_ =	shalt  }
0x5b: {  	_ =	shalt  }
0x5c: {  	_ =	shalt  }
0x5d: {  	_ =	shalt  }
0x5e: {  	_ =	shalt  }
0x5f: {  	_ =	shalt  }
0x60: {  	_ =	shalt  }
0x61: {  	_ =	shalt  }
0x62: {  	_ =	shalt  }
0x63: {  	_ =	shalt  }
0x64: {  	_ =	shalt  }
0x65: {  	_ =	shalt  }
0x66: {  	_ =	shalt  }
0x67: {  	_ =	shalt  }
0x68: {  	_ =	shalt  }
0x69: {  	_ =	shalt  }
0x6a: {  	_ =	shalt  }
0x6b: {  	_ =	shalt  }
0x6c: {  	_ =	shalt  }
0x6d: {  	_ =	shalt  }
0x6e: {  	_ =	shalt  }
0x6f: {  	_ =	shalt  }
0x70: {  	_ =	shalt  }
0x71: {  	_ =	shalt  }
0x72: {  	_ =	shalt  }
0x73: {  	_ =	shalt  }
0x74: {  	_ =	shalt  }
0x75: {  	_ =	shalt  }
0x76: {  	_ =	shalt  }
0x77: {  	_ =	shalt  }
0x78: {  	_ =	shalt  }
0x79: {  	_ =	shalt  }
0x7a: {  	_ =	shalt  }
0x7b: {  	_ =	shalt  }
0x7c: {  	_ =	shalt  }
0x7d: {  	_ =	shalt  }
0x7e: {  	_ =	shalt  }
0x7f: {  	_ =	shalt  }
0x80: {  	_ =	shalt  }
0x81: {  	_ =	shalt  }
0x82: {  	_ =	shalt  }
0x83: {  	_ =	shalt  }
0x84: {  	_ =	shalt  }
0x85: {  	_ =	shalt  }
0x86: {  	_ =	shalt  }
0x87: {  	_ =	shalt  }
.Lfunc_end0:
.L_simem_size_0:
called_computation_lowered:
.L_overlay_start_0:
0x88: {  	s2 =	sld [smem:$0x3FD9]  }
0x89: {  	s3 =	sld [smem:$0x3FFE];
	_ =	sdelay $0x1  }
0x8a: {  	s1 =	srdreg.scid  }
0x8b: {  	s0 =	sand.u32 $0x1, s1  }
0x8c: {  	s17 =	sshll.u32 s0, $0xA;
	s2 =	sadd.s32 s3, s2  }
0x8d: {  	s2 =	sadd.s32 s2, s17  }
0x8e: {  	[smem:$0x3FB6] =	sst s2  }
0x8f: {  	_ = 	snop  }
0x90: {  	s2 =	sld [smem:$0x3FD0];
	(tm) =	ssettm $0x1  }
0x91: {  	s18 =	sld [smem:$0x3FFB];
	_ =	sdelay $0x3  }
0x92: {  	_ =	strace s18  }
0x93: {  	s3 =	sld [smem:$0x3FFC];
	_ =	sdelay $0x3  }
0x94: {  	_ =	strace s3  }
0x95: {  	s3 =	sld [smem:$0x3FFD];
	_ =	sdelay $0x3  }
0x96: {  	_ =	strace s3  }
0x97: {  	_ =	strace $0x8FFFFFFF  }
0x98: {  	s19 =	sld [smem:$0x3FDB];
	_ =	sdelay $0x1  }
0x99: {  	s4 =	simm.s32 $_scs_section_size  }
0x9a: {  	s5 =	simm.s32 $_size__tile_overlayer_lowered;
	s6 =	simm.s32 $_tile_overlayer_lowered  }
0x9b: {  	s22 =	simm.s32 $0x1BFF;
	s21 =	sshll.u32 s6, $0x1;
	s3 =	sadd.s32 s4, s19  }
0x9c: {  	s7 =	simm.s32 $0x0;
	s20 =	sshll.u32 s5, $0x1;
	s5 =	sadd.s32 s21, s3  }
0x9d: {  	[timem:s7], [sflag:s22] =	dma.local [hbm:s5], s20  }
0x9e: {  	_ =	swait.ge [sflag:s22], s20  }
0x9f: {  	s4 =	ssub.s32 $0x0, s20;
	[sflag:s22] =	ssyncset.done $0x0  }
0xa0: {  	[sflag:s22] =	ssyncadd.s32 s4;
	_ =	sdelay $0x1  }
0xa1: {  	s23 =	simm.s32 $0x1B8B  }
0xa2: {  	_ =	swait.ge [sflag:s23], $0x1  }
0xa3: {  	[sflag:s23] =	ssyncset.done $0x0  }
0xa4: {  	s25 =	simm.s32 $0x1B8E;
	s24 =	sld [smem:$0x3FFE];
	[sflag:s23] =	ssyncadd.s32 $0xFFFFFFFF  }
0xa5: {  	s26 =	simm.s32 $execute0_lowered;
	[smem:$0x3FD2] =	sst s25  }
0xa6: {  	s5 =	sshll.u32 s26, $0x1;
	_ =	strace $0x80000046;
	[dreg:$0x1] =	wrdreg $0xFFFFFFFF  }
0xa7: {  	s28 =	simm.s32 $_size_execute0_lowered;
	s3 =	sadd.s32 s3, s5;
	[dreg:$0x0] =	wrdreg $0x0  }
0xa8: {  	s5 =	sshll.u32 s28, $0x1;
	[dreg:$0x2] =	wrdreg s3  }
0xa9: {  	[dreg:$0x3] =	wrdreg s5  }
0xaa: {  	[dreg:$0x4] =	wrdreg $0xC0  }
0xab: {  	_ =	task [dreg:s7], $0x5FFFF  }
0xac: {  	[dreg:$0x1] =	wrdreg $0xFFFFFFFF  }
0xad: {  	[dreg:$0x0] =	wrdreg $0x60  }
0xae: {  	[dreg:$0x2] =	wrdreg s2  }
0xaf: {  	[dreg:$0x3] =	wrdreg s24  }
0xb0: {  	[dreg:$0x4] =	wrdreg $0x2B000  }
0xb1: {  	[dreg:$0x5] =	wrdreg $0x9  }
0xb2: {  	_ =	task.clear_ibuf [dreg:s7], $0x6FFFF;
	_ =	strace $0x90000046  }
0xb3: {  	s29 =	simm.s32 $0x9;
	_ =	strace $0x80000048  }
0xb4: {  	_ =	swait.ge [sflag:s29], $0x1  }
0xb5: {  	[sflag:s29] =	ssyncadd.s32 $0xFFFFFFFF  }
0xb6: {  	_ =	strace $0x90000048  }
0xb7: {  	_ =	sfence  }
0xb8: {  	s30 =	sld [smem:$0x0];
	_ =	sdelay $0x2  }
0xb9: {  	s31 =	sshll.u32 s1, $0xD;
	s1 =	sshrl.u32 s1, $0x2  }
0xba: {  	s3 =	sand.u32 $0x4000, s31;
	s1 =	sadd.s32 s1, s30  }
0xbb: {  	s0 =	sor.u32 s3, s0;
	s1 =	sshll.u32 s1, $0x11  }
0xbc: {  	s0 =	sor.u32 s1, s0  }
0xbd: {  	s0 =	sadd.s32 $0x8F2B, s0  }
0xbe: {  	[sflag:s0] =	ssyncadd.remote.s32 $0x1  }
0xbf: {  	_ =	sfence.sel $0xFFFF  }
0xc0: {  	[dreg:$0x0] =	wrdreg $0xFFFFFFFF;
	(pc) =	sbr.abs _section_cstart, $3  }
0xc1: {  	[dreg:$0x1] =	wrdreg $0xFFFFFFFF  }
0xc2: {  	_ =	task.clear_ibuf [dreg:s7], $0x2FFFF;
	_ =	strace $0x9FFFFFFF  }
0xc3: {  	(tm) =	ssettm $0x7FFFFFFF  }
tec
execute0_lowered:
.L_overlay_start_1:
0x0: {  	(tag) =	ssettag $0x1  }
0x1: {  	s6 =	rddreg [dreg:$0x0]  }
0x2: {  	s7 =	rddreg [dreg:$0x1]  }
0x3: {  	s2 =	rddreg [dreg:$0x2]  }
0x4: {  	s0 =	rddreg [dreg:$0x3];
	s4 =	srdreg.scid  }
0x5: {  	s1 =	stileid.u32;
	s3 =	simm.s32 $0x0;
	s13 =	simm.s32 $0x80  }
0x6: {  	s14 =	simm.s32 $0x0;
	s5 =	sand.u32 $0x1, s4;
	s8 =	smul.u32 $0x280, s1  }
0x7: {  	[smem:$0x7FF] =	sst s3;
	s4 =	sadd.s32 $0x4800, s7;
	s9 =	smul.u32 $0x2800, s5  }
0x8: {  	_ =	strace $0x80000047;
	s10 =	sshll.u32 s5, $0x4;
	s11 =	ssub.s32 $0x2, s5  }
0x9: {  	s5 =	sadd.s32 $0x4600, s7;
	s30 =	sor.u32 s1, s10;
	s9 =	sadd.s32 s8, s9  }
0xa: {  	s31 =	sshrl.u32 s11, $0x1;
	s12 =	smul.u32 $0x500, s30;
	s9 =	sshrl.u32 s9, $0x3  }
0xb: {  	s10 =	ssub.s32 s11, s31;
	s11 =	simm.s32 $0x2800;
	s9 =	sadd.s32 s9, s7  }
0xc: {  	s6 =	sadd.s32 s6, s12;
	s7 =	sadd.s32 s8, s2;
	s12 =	simm.s32 $0x2880  }
0xd: {  	s8 =	sadd.s32 $0x4A00, s9;
	s9 =	smax.u32 s10, $0x1;
	s10 =	simm.s32 $0x1  }
.LBB2_1:
0xe: {  	[tilespmem:s3], [sflag:$0x1] =	stream.linear.gather [hbm4b:s6+s3], $0x2800, $0x38;
	[tilespmem:$0x2D80] =	vst v63  }
0xf: {  	_ =	swait.ge [sflag:s10], $0x2800  }
0x10: {  	[sflag:s10] =	ssyncset.done $0x0  }
0x11: {  	[sflag:s10] =	ssyncadd.s32 $0xFFFFD800  }
0x12: {  	[tilespmem:s11], [sflag:$0x1] =	stream.linear.gather [hbm4b:s4+s3], $0x80, $0x38;
	[tilespmem:$0x2D80] =	vst v63  }
0x13: {  	_ =	swait.ge [sflag:s10], $0x80  }
0x14: {  	[sflag:s10] =	ssyncset.done $0x0  }
0x15: {  	[sflag:s10] =	ssyncadd.s32 $0xFFFFFF80  }
0x16: {  	[tilespmem:s12], [sflag:$0x1] =	stream.linear.gather [hbm4b:s5+s3], $0x280, $0x38;
	[tilespmem:$0x2D80] =	vst v63  }
0x17: {  	_ =	swait.ge [sflag:s10], $0x280  }
0x18: {  	[sflag:s10] =	ssyncset.done $0x0  }
0x19: {  	[sflag:s10] =	ssyncadd.s32 $0xFFFFFD80  }
0x1a: {  	[spmem:s7] =	stream.linear.scatter [tilespmem:s12], [sflag:$0x1], $0x280, $0x38;
	[tilespmem:$0x2D80] =	vst v63  }
0x1b: {  	_ =	swait.ge [sflag:s10], $0x280  }
0x1c: {  	[sflag:s10] =	ssyncset.done $0x0  }
0x1d: {  	[sflag:s10] =	ssyncadd.s32 $0xFFFFFD80  }
0x1e: {  	s15 =	simm.s32 $0x0;
	[bflag:$0x0] =	sbarrier.arrive $0xFFFF  }
0x1f: {  	[spmem:s2] =	stream.indirect.scatter.add.f32 [tilespmem:s11], [sflag:$0x1], $0x1, s15, s13, $0xb8;
	[tilespmem:$0x2D80] =	vst v63  }
0x20: {  	_ =	swait.ge [sflag:s10], $0x80  }
0x21: {  	s15 =	simm.s32 $0x200;
	[sflag:s10] =	ssyncset.done $0x0  }
.LBB2_2:
0x22: {  	s16 =	sshra.s32 s15, $0x2;
	[sflag:s10] =	ssyncadd.s32 $0xFFFFFF80;
	p0 =	sne.s32 s15, $0x9E00  }
0x23: {  	[spmem:s2] =	stream.indirect.scatter.add.f32 [tilespmem:s11], [sflag:$0x1], $0x1, s16, s13, $0xb8;
	[tilespmem:$0x2D80] =	vst v63  }
.Ltmp0:
0x24: {  	_ = 	snop;
	(pc) =	sbr.rel @p0 .LBB2_2-.Ltmp0, $4  }
0x25: {  	_ = 	snop  }
0x26: {  	s15 =	sadd.s32 $0x200, s15  }
0x27: {  	_ =	swait.ge [sflag:s10], $0x80  }
0x28: {  	[sflag:s10] =	ssyncset.done $0x0  }
0x29: {  	[sflag:s10] =	ssyncadd.s32 $0xFFFFFF80  }
0x2a: {  	[bflag:$0x0] =	sbarrier.arrive $0xFFFF  }
0x2b: {  	[tilespmem:s12], [sflag:$0x1] =	stream.linear.gather [spmem:s7], $0x280, $0x38;
	[tilespmem:$0x2D80] =	vst v63  }
0x2c: {  	s14 =	sadd.s32 $0x1, s14;
	_ =	swait.ge [sflag:s10], $0x280  }
0x2d: {  	p0 =	sne.s32 s14, s9;
	[sflag:s10] =	ssyncset.done $0x0  }
.Ltmp1:
0x2e: {  	[sflag:s10] =	ssyncadd.s32 $0xFFFFFD80;
	(pc) =	sbr.rel @p0 .LBB2_1-.Ltmp1, $4  }
0x2f: {  	[hbm4b:s8+s3] =	stream.linear.scatter [tilespmem:s12], [sflag:$0x1], $0x280, $0x38;
	[tilespmem:$0x2D80] =	vst v63  }
0x30: {  	_ =	swait.ge [sflag:s10], $0x280  }
0x31: {  	[sflag:s10] =	ssyncset.done $0x0  }
0x32: {  	[sflag:s10] =	ssyncadd.s32 $0xFFFFFD80  }
0x33: {  	_ =	sfence.sel $0x180000  }
0x34: {  	[bflag:$0x0] =	sbarrier.arrive $0xFFFF  }
0x35: {  	p0 =	sne.s32 s1, $0x0;
	_ =	strace $0x90000047  }
0x36: {  	s0 =	sadd.s32 @!p0 $0x100000, s0;
	[bflag:$0x2] =	sbarrier.arrive $0xFFFF  }
0x37: {  	[sflag:s0] =	ssyncadd.tile.s32 @!p0 $0x1;
	_ =	shalt  }
.Lfunc_end2:
_tile_overlayer_lowered:
.L_overlay_start_2:
0x38: {  	(tag) =	ssettag $0x2  }
0x39: {  	s0 =	rddreg [dreg:$0x0];
	s2 =	stileid.u32  }
0x3a: {  	s1 =	rddreg [dreg:$0x1];
	p0 =	sne.s32 s2, $0x0  }
0x3b: {  	s3 =	rddreg [dreg:$0x2];
	[bflag:$0x3] =	sbarrier.arrive $0xFFFF;
	s2 =	simm.s32 @!p0 $0x1C01  }
0x3c: {  	[timem:s3], [sflag:s2] =	dma.local @!p0 [hbm:s0], s1  }
0x3d: {  	s0 =	simm.s32 @!p0 $0x1  }
0x3e: {  	_ =	swait.ge @!p0 [sflag:s0], s1  }
0x3f: {  	s1 =	ssub.s32 @!p0 $0x0, s1;
	[sflag:s0] =	ssyncset.done @!p0 $0x0  }
0x40: {  	[sflag:s0] =	ssyncadd.s32 @!p0 s1  }
0x41: {  	[bflag:$0x3] =	sbarrier.arrive $0xFFFF  }
0x42: {  	_ =	shalt  }

// kernel: kernel.13.cloned.1.call-start
scs
__scs_entry_jumppad:
0x0: {  	(pc) =	sbr.rel $0x88, $3  }
0x1: {  	(tag) =	ssettag $0x0;
	lr =	simm.s32 $0x1  }
0x2: {  	[smem:$0x3F8F] =	sst lr;
	_ =	strace $0xD0000000  }
0x3: {  	_ = 	snop  }
0x4: {  	_ = 	snop  }
0x5: {  	_ = 	snop  }
0x6: {  	_ = 	snop  }
0x7: {  	_ = 	snop  }
__scs_overlays_trampoline_lowered:
0x8: {  	[smem:$0x3F9E] =	sst s0  }
0x9: {  	[smem:$0x3F9F] =	sst s1  }
0xa: {  	[smem:$0x3FA0] =	sst s2  }
0xb: {  	[smem:$0x3FA1] =	sst s3  }
0xc: {  	[smem:$0x3FA2] =	sst s4  }
0xd: {  	[smem:$0x3FA3] =	sst s5  }
0xe: {  	[smem:$0x3FA4] =	sst s6  }
0xf: {  	[smem:$0x3FA5] =	sst s7  }
0x10: {  	[smem:$0x3FA6] =	sst s8  }
0x11: {  	[smem:$0x3FA7] =	sst s9;
	s0 =	simm.s32 @!p0 $0x0  }
0x12: {  	s1 =	sld [smem:$0x3F8D];
	s0 =	simm.s32 @p0 $0x1  }
0x13: {  	[smem:$0x3FA8] =	sst s0;
	s0 =	simm.s32 @!p1 $0x0  }
0x14: {  	s2 =	sld [smem:$0x3F8C];
	s0 =	simm.s32 @p1 $0x1  }
0x15: {  	[smem:$0x3FA9] =	sst s0;
	s0 =	simm.s32 @!p2 $0x0  }
0x16: {  	s3 =	sld [smem:$0x3FDB];
	s0 =	simm.s32 @p2 $0x1  }
0x17: {  	s4 =	simm.s32 $0x1BF5;
	[smem:$0x3FAB] =	sst s0  }
0x18: {  	s0 =	sld [smem:$0x3F8E];
	_ =	swait.ge [sflag:s4], $0x0  }
0x19: {  	s7 =	sld [smem:$0x3F8F]  }
0x1a: {  	s8 =	sadd.s32 $0xFFFFE003, lr  }
0x1b: {  	s9 =	sadd.s32 $0xFFFFFEF7, lr;
	s5 =	simm.s32 $0xFFFFFFFF;
	p2 =	slt.u32 s8, $0xFFFFF086  }
0x1c: {  	p1 =	slt.u32 s9, $0xF7A;
	s5 =	simm.s32 @!p2 $0x0  }
0x1d: {  	s5 =	simm.s32 @p1 $0x1;
	p0 =	seq.s32 s7, s2  }
0x1e: {  	s7 =	smul.u32 @!p0 $0xF7A, s2;
	p2 =	seq.s32 @!p0 s5, $0x0  }
0x1f: {  	s9 =	smul.u32 $0xF7A, s1;
	s8 =	simm.s32 @!p0 $0x1BF5;
	p2 =	por !p2, p0  }
0x20: {  	[sflag:s8] =	ssyncset.s32 @!p0 $0xFFFFF086;
	s6 =	sadd.s32 @!p0 s3, s7;
	s7 =	simm.s32 @!p0 $0x108  }
0x21: {  	s3 =	sadd.s32 s3, s9;
	s6 =	sadd.s32 @!p0 $0x88, s6;
	s7 =	simm.s32 @p2 $0x1082  }
0x22: {  	[simem:s7], [sflag:s8] =	dma.local @!p0 [hbm:s6], $0xF7A  }
0x23: {  	s9 =	sor.u32 $0xD0000000, s2;
	s6 =	simm.s32 $0x108;
	_ =	swait.ge @!p0 [sflag:s8], $0x0  }
0x24: {  	s3 =	sadd.s32 $0x88, s3;
	s6 =	simm.s32 @!p1 $0x1082;
	[sflag:s4] =	ssyncset.s32 $0xFFFFF086  }
0x25: {  	[simem:s6], [sflag:s4] =	dma.local [hbm:s3], $0xF7A  }
0x26: {  	[smem:$0x3F8F] =	sst s1;
	(tag) =	ssettag s2;
	_ =	strace s9  }
0x27: {  	s1 =	sld [smem:$0x3F9F]  }
0x28: {  	s2 =	sld [smem:$0x3FA0]  }
0x29: {  	s4 =	sld [smem:$0x3FA2]  }
0x2a: {  	p0 =	seq.s32 s5, $0x0;
	s5 =	sld [smem:$0x3FA3]  }
0x2b: {  	s6 =	sld [smem:$0x3FA4]  }
0x2c: {  	s7 =	sld [smem:$0x3FA5]  }
0x2d: {  	s3 =	simm.s32 $0x108;
	s8 =	sld [smem:$0x3FA6]  }
0x2e: {  	s3 =	simm.s32 @!p0 $0x1082;
	s9 =	sld [smem:$0x3FA7]  }
0x2f: {  	lr =	sadd.s32 s0, s3;
	s0 =	sld [smem:$0x3F9E]  }
0x30: {  	s3 =	sld [smem:$0x3FA1]  }
0x31: {  	[smem:$0x3FAA] =	sst s10  }
0x32: {  	s10 =	sld [smem:$0x3FA8];
	_ =	sdelay $0x3  }
0x33: {  	p0 =	seq.s32 s10, $0x1;
	s10 =	sld [smem:$0x3FAA];
	_ =	sdelay $0x3  }
0x34: {  	[smem:$0x3FAA] =	sst s10  }
0x35: {  	s10 =	sld [smem:$0x3FA9];
	_ =	sdelay $0x3  }
0x36: {  	p1 =	seq.s32 s10, $0x1;
	s10 =	sld [smem:$0x3FAA];
	_ =	sdelay $0x3  }
0x37: {  	[smem:$0x3FAA] =	sst s10  }
0x38: {  	s10 =	sld [smem:$0x3FAB]  }
0x39: {  	_ = 	snop;
	(pc) =	sbr.ind lr, $3  }
0x3a: {  	_ = 	snop  }
0x3b: {  	_ = 	snop  }
0x3c: {  	p2 =	seq.s32 s10, $0x1;
	s10 =	sld [smem:$0x3FAA]  }
0x3d: {  	_ =	shalt  }
0x3e: {  	_ =	shalt  }
0x3f: {  	_ =	shalt  }
0x40: {  	_ =	shalt  }
0x41: {  	_ =	shalt  }
0x42: {  	_ =	shalt  }
0x43: {  	_ =	shalt  }
0x44: {  	_ =	shalt  }
0x45: {  	_ =	shalt  }
0x46: {  	_ =	shalt  }
0x47: {  	_ =	shalt  }
0x48: {  	_ =	shalt  }
0x49: {  	_ =	shalt  }
0x4a: {  	_ =	shalt  }
0x4b: {  	_ =	shalt  }
0x4c: {  	_ =	shalt  }
0x4d: {  	_ =	shalt  }
0x4e: {  	_ =	shalt  }
0x4f: {  	_ =	shalt  }
0x50: {  	_ =	shalt  }
0x51: {  	_ =	shalt  }
0x52: {  	_ =	shalt  }
0x53: {  	_ =	shalt  }
0x54: {  	_ =	shalt  }
0x55: {  	_ =	shalt  }
0x56: {  	_ =	shalt  }
0x57: {  	_ =	shalt  }
0x58: {  	_ =	shalt  }
0x59: {  	_ =	shalt  }
0x5a: {  	_ =	shalt  }
0x5b: {  	_ =	shalt  }
0x5c: {  	_ =	shalt  }
0x5d: {  	_ =	shalt  }
0x5e: {  	_ =	shalt  }
0x5f: {  	_ =	shalt  }
0x60: {  	_ =	shalt  }
0x61: {  	_ =	shalt  }
0x62: {  	_ =	shalt  }
0x63: {  	_ =	shalt  }
0x64: {  	_ =	shalt  }
0x65: {  	_ =	shalt  }
0x66: {  	_ =	shalt  }
0x67: {  	_ =	shalt  }
0x68: {  	_ =	shalt  }
0x69: {  	_ =	shalt  }
0x6a: {  	_ =	shalt  }
0x6b: {  	_ =	shalt  }
0x6c: {  	_ =	shalt  }
0x6d: {  	_ =	shalt  }
0x6e: {  	_ =	shalt  }
0x6f: {  	_ =	shalt  }
0x70: {  	_ =	shalt  }
0x71: {  	_ =	shalt  }
0x72: {  	_ =	shalt  }
0x73: {  	_ =	shalt  }
0x74: {  	_ =	shalt  }
0x75: {  	_ =	shalt  }
0x76: {  	_ =	shalt  }
0x77: {  	_ =	shalt  }
0x78: {  	_ =	shalt  }
0x79: {  	_ =	shalt  }
0x7a: {  	_ =	shalt  }
0x7b: {  	_ =	shalt  }
0x7c: {  	_ =	shalt  }
0x7d: {  	_ =	shalt  }
0x7e: {  	_ =	shalt  }
0x7f: {  	_ =	shalt  }
0x80: {  	_ =	shalt  }
0x81: {  	_ =	shalt  }
0x82: {  	_ =	shalt  }
0x83: {  	_ =	shalt  }
0x84: {  	_ =	shalt  }
0x85: {  	_ =	shalt  }
0x86: {  	_ =	shalt  }
0x87: {  	_ =	shalt  }
.Lfunc_end0:
.L_simem_size_0:
called_computation.1_lowered:
.L_overlay_start_0:
0x88: {  	s2 =	sld [smem:$0x3FD9]  }
0x89: {  	s3 =	sld [smem:$0x3FFE];
	_ =	sdelay $0x1  }
0x8a: {  	s1 =	srdreg.scid  }
0x8b: {  	s0 =	sand.u32 $0x1, s1  }
0x8c: {  	s17 =	sshll.u32 s0, $0xA;
	s2 =	sadd.s32 s3, s2  }
0x8d: {  	s2 =	sadd.s32 s2, s17  }
0x8e: {  	[smem:$0x3FB6] =	sst s2  }
0x8f: {  	_ = 	snop  }
0x90: {  	s2 =	sld [smem:$0x3FD0];
	(tm) =	ssettm $0x1  }
0x91: {  	s18 =	sld [smem:$0x3FFB];
	_ =	sdelay $0x3  }
0x92: {  	_ =	strace s18  }
0x93: {  	s3 =	sld [smem:$0x3FFC];
	_ =	sdelay $0x3  }
0x94: {  	_ =	strace s3  }
0x95: {  	s3 =	sld [smem:$0x3FFD];
	_ =	sdelay $0x3  }
0x96: {  	_ =	strace s3  }
0x97: {  	_ =	strace $0x8FFFFFFF  }
0x98: {  	s19 =	sld [smem:$0x3FDB];
	_ =	sdelay $0x1  }
0x99: {  	s4 =	simm.s32 $_scs_section_size  }
0x9a: {  	s5 =	simm.s32 $_size__tile_overlayer_lowered;
	s6 =	simm.s32 $_tile_overlayer_lowered  }
0x9b: {  	s22 =	simm.s32 $0x1BFF;
	s21 =	sshll.u32 s6, $0x1;
	s3 =	sadd.s32 s4, s19  }
0x9c: {  	s7 =	simm.s32 $0x0;
	s20 =	sshll.u32 s5, $0x1;
	s5 =	sadd.s32 s21, s3  }
0x9d: {  	[timem:s7], [sflag:s22] =	dma.local [hbm:s5], s20  }
0x9e: {  	_ =	swait.ge [sflag:s22], s20  }
0x9f: {  	s4 =	ssub.s32 $0x0, s20;
	[sflag:s22] =	ssyncset.done $0x0  }
0xa0: {  	[sflag:s22] =	ssyncadd.s32 s4;
	_ =	sdelay $0x1  }
0xa1: {  	s23 =	simm.s32 $0x1B8B  }
0xa2: {  	_ =	swait.ge [sflag:s23], $0x1  }
0xa3: {  	[sflag:s23] =	ssyncset.done $0x0  }
0xa4: {  	s25 =	simm.s32 $0x1B8E;
	s24 =	sld [smem:$0x3FFE];
	[sflag:s23] =	ssyncadd.s32 $0xFFFFFFFF  }
0xa5: {  	s26 =	simm.s32 $execute0_lowered;
	[smem:$0x3FD2] =	sst s25  }
0xa6: {  	s5 =	sshll.u32 s26, $0x1;
	_ =	strace $0x80000049;
	[dreg:$0x1] =	wrdreg $0xFFFFFFFF  }
0xa7: {  	s28 =	simm.s32 $_size_execute0_lowered;
	s3 =	sadd.s32 s3, s5;
	[dreg:$0x0] =	wrdreg $0x0  }
0xa8: {  	s5 =	sshll.u32 s28, $0x1;
	[dreg:$0x2] =	wrdreg s3  }
0xa9: {  	[dreg:$0x3] =	wrdreg s5  }
0xaa: {  	[dreg:$0x4] =	wrdreg $0xC0  }
0xab: {  	_ =	task [dreg:s7], $0x5FFFF  }
0xac: {  	[dreg:$0x1] =	wrdreg $0xFFFFFFFF  }
0xad: {  	[dreg:$0x0] =	wrdreg $0x60  }
0xae: {  	[dreg:$0x2] =	wrdreg s24  }
0xaf: {  	[dreg:$0x3] =	wrdreg s2  }
0xb0: {  	[dreg:$0x4] =	wrdreg $0xB9000  }
0xb1: {  	[dreg:$0x5] =	wrdreg $0x9  }
0xb2: {  	_ =	task.clear_ibuf [dreg:s7], $0x6FFFF;
	_ =	strace $0x90000049  }
0xb3: {  	s29 =	simm.s32 $0x9;
	_ =	strace $0x8000004B  }
0xb4: {  	_ =	swait.ge [sflag:s29], $0x1  }
0xb5: {  	[sflag:s29] =	ssyncadd.s32 $0xFFFFFFFF  }
0xb6: {  	_ =	strace $0x9000004B  }
0xb7: {  	_ =	sfence  }
0xb8: {  	s30 =	sld [smem:$0x0];
	_ =	sdelay $0x2  }
0xb9: {  	s31 =	sshll.u32 s1, $0xD;
	s1 =	sshrl.u32 s1, $0x2  }
0xba: {  	s3 =	sand.u32 $0x4000, s31;
	s1 =	sadd.s32 s1, s30  }
0xbb: {  	s0 =	sor.u32 s3, s0;
	s1 =	sshll.u32 s1, $0x11  }
0xbc: {  	s0 =	sor.u32 s1, s0  }
0xbd: {  	s0 =	sadd.s32 $0x8F2B, s0  }
0xbe: {  	[sflag:s0] =	ssyncadd.remote.s32 $0x1  }
0xbf: {  	_ =	sfence.sel $0xFFFF  }
0xc0: {  	[dreg:$0x0] =	wrdreg $0xFFFFFFFF;
	(pc) =	sbr.abs _section_cstart, $3  }
0xc1: {  	[dreg:$0x1] =	wrdreg $0xFFFFFFFF  }
0xc2: {  	_ =	task.clear_ibuf [dreg:s7], $0x2FFFF;
	_ =	strace $0x9FFFFFFF  }
0xc3: {  	(tm) =	ssettm $0x7FFFFFFF  }
tec
execute0_lowered:
.L_overlay_start_1:
0x0: {  	(tag) =	ssettag $0x1  }
0x1: {  	s0 =	rddreg [dreg:$0x0]  }
0x2: {  	s2 =	rddreg [dreg:$0x1]  }
0x3: {  	s1 =	rddreg [dreg:$0x2]  }
0x4: {  	s4 =	srdreg.scid;
	s3 =	simm.s32 $0x0;
	s11 =	stileid.u32  }
0x5: {  	s5 =	sand.u32 $0x1, s4;
	[smem:$0x7FF] =	sst s3;
	s7 =	smul.u32 $0x2800, s11  }
0x6: {  	s10 =	sadd.s32 $0x5400, s0;
	s12 =	sadd.s32 $0x4600, s0;
	s6 =	smul.u32 $0x28000, s5  }
0x7: {  	s4 =	sshll.u32 s5, $0x4;
	_ =	strace $0x8000004A;
	s5 =	ssub.s32 $0x2, s5  }
0x8: {  	[dreg:$0x4] =	wrdreg s12;
	s8 =	sor.u32 s11, s4;
	s11 =	smul.u32 $0x50000, s11  }
0x9: {  	s4 =	sadd.s32 $0xF400, s0;
	s26 =	sshrl.u32 s5, $0x1;
	s9 =	smul.u32 $0x2800, s8  }
0xa: {  	s8 =	smul.u32 $0x500, s8;
	s6 =	sadd.s32 s7, s6;
	s5 =	ssub.s32 s5, s26  }
0xb: {  	s0 =	sadd.s32 s6, s0;
	s12 =	smax.u32 s5, $0x1;
	s24 =	sor.u32 $0x200, s6  }
0xc: {  	s2 =	sadd.s32 s2, s8;
	s8 =	sshrl.u32 s11, $0x2;
	[dreg:$0x7] =	wrdreg s12  }
0xd: {  	s0 =	sadd.s32 $0x36600, s0;
	[dreg:$0x5] =	wrdreg s2;
	s8 =	sadd.s32 s8, s1  }
0xe: {  	s25 =	sor.u32 $0x180, s6;
	[dreg:$0x6] =	wrdreg s0;
	s13 =	sadd.s32 $0x1000, s8  }
0xf: {  	s6 =	simm.s32 $0x100;
	s14 =	sadd.s32 $0x2000, s8;
	[dreg:$0x8] =	wrdreg s13  }
0x10: {  	s7 =	sshrl.u32 s9, $0x3;
	s15 =	sadd.s32 $0x3000, s8;
	[dreg:$0x9] =	wrdreg s14  }
0x11: {  	s9 =	sor.u32 $0x100, s9;
	s16 =	sadd.s32 $0x4000, s8;
	[dreg:$0xa] =	wrdreg s15  }
0x12: {  	s5 =	sshrl.u32 s25, $0x3;
	s17 =	sadd.s32 $0x5000, s8;
	[dreg:$0xb] =	wrdreg s16  }
0x13: {  	s12 =	simm.s32 $0xA900;
	s18 =	sadd.s32 $0x6000, s8;
	[dreg:$0xc] =	wrdreg s17  }
0x14: {  	s11 =	sadd.s32 s10, s7;
	s19 =	sadd.s32 $0x7000, s8;
	[dreg:$0xd] =	wrdreg s18  }
0x15: {  	s2 =	sshrl.u32 s9, $0x3;
	s20 =	sadd.s32 $0x8000, s8;
	[dreg:$0xe] =	wrdreg s19  }
0x16: {  	s0 =	sshrl.u32 s24, $0x3;
	s21 =	sadd.s32 $0x9000, s8;
	[dreg:$0xf] =	wrdreg s20  }
0x17: {  	s9 =	simm.s32 $0x5;
	s22 =	sadd.s32 $0xA000, s8;
	[dreg:$0x10] =	wrdreg s21  }
0x18: {  	s7 =	simm.s32 $0x1;
	s23 =	sadd.s32 $0xB000, s8;
	[dreg:$0x11] =	wrdreg s22  }
0x19: {  	s2 =	sadd.s32 s10, s2;
	s0 =	sadd.s32 s0, s10;
	[dreg:$0x12] =	wrdreg s23  }
0x1a: {  	s26 =	sadd.s32 $0xC000, s8;
	s28 =	sadd.s32 $0xE000, s8;
	[dreg:$0x13] =	wrdreg s2  }
0x1b: {  	s29 =	sadd.s32 $0xF000, s8;
	s30 =	sadd.s32 $0x10000, s8;
	[dreg:$0x14] =	wrdreg s0  }
0x1c: {  	s31 =	sadd.s32 $0x11000, s8;
	s18 =	sadd.s32 s5, s10;
	[dreg:$0x15] =	wrdreg s26  }
0x1d: {  	s26 =	sadd.s32 $0xD000, s8;
	s0 =	sadd.s32 $0x12000, s8;
	s2 =	sadd.s32 $0x13000, s8  }
0x1e: {  	s19 =	smov.u32 s11;
	s5 =	sadd.s32 $0x10, s11;
	s10 =	simm.s32 $0x80  }
0x1f: {  	s11 =	simm.s32 $0x2900;
	s13 =	simm.s32 $0x6900;
	s14 =	simm.s32 $0x2  }
0x20: {  	s15 =	simm.s32 $0x3;
	s16 =	simm.s32 $0x4;
	s17 =	simm.s32 $0x0  }
.LBB2_1:
0x21: {  	s20 =	rddreg [dreg:$0x5]  }
0x22: {  	[tilespmem:s6], [sflag:$0x5] =	stream.linear.gather [hbm4b:s20+s3], $0x2800, $0x38;
	[tilespmem:$0x1F900] =	vst v63  }
0x23: {  	_ =	swait.ge [sflag:s9], $0x2800  }
0x24: {  	[sflag:s9] =	ssyncset.done $0x0  }
0x25: {  	[sflag:s9] =	ssyncadd.s32 $0xFFFFD800  }
0x26: {  	[tilespmem:s3], [sflag:$0x5] =	stream.linear.gather [hbm4b:s19+s3], $0x80, $0x38;
	[tilespmem:$0x1F900] =	vst v63  }
0x27: {  	_ =	swait.ge [sflag:s9], $0x80  }
0x28: {  	[sflag:s9] =	ssyncset.done $0x0  }
0x29: {  	[sflag:s9] =	ssyncadd.s32 $0xFFFFFF80  }
0x2a: {  	[tilespmem:s11], [sflag:$0x1] =	stream.indirect.gather [hbm4b:s4+s10], $0x80, s3, s10, $0xb8;
	[tilespmem:$0x1F900] =	vst v63  }
0x2b: {  	s21 =	rddreg [dreg:$0x4]  }
0x2c: {  	[tilespmem:s12], [sflag:$0x5] =	stream.linear.gather [hbm4b:s21+s3], $0x1000, $0x38;
	[tilespmem:$0x1F900] =	vst v63  }
0x2d: {  	_ =	swait.ge [sflag:s9], $0x1000  }
0x2e: {  	[sflag:s9] =	ssyncset.done $0x0  }
0x2f: {  	[sflag:s9] =	ssyncadd.s32 $0xFFFFF000  }
0x30: {  	[spmem:s8] =	stream.linear.scatter [tilespmem:s12], [sflag:$0x5], $0x1000, $0x38;
	[tilespmem:$0x1F900] =	vst v63  }
0x31: {  	_ =	swait.ge [sflag:s9], $0x1000  }
0x32: {  	[sflag:s9] =	ssyncset.done $0x0  }
0x33: {  	s22 =	rddreg [dreg:$0x8];
	[sflag:s9] =	ssyncadd.s32 $0xFFFFF000  }
0x34: {  	[spmem:s22] =	stream.linear.scatter [tilespmem:s12], [sflag:$0x5], $0x1000, $0x38;
	[tilespmem:$0x1F900] =	vst v63  }
0x35: {  	_ =	swait.ge [sflag:s9], $0x1000  }
0x36: {  	[sflag:s9] =	ssyncset.done $0x0  }
0x37: {  	s23 =	rddreg [dreg:$0x9];
	[sflag:s9] =	ssyncadd.s32 $0xFFFFF000  }
0x38: {  	[spmem:s23] =	stream.linear.scatter [tilespmem:s12], [sflag:$0x5], $0x1000, $0x38;
	[tilespmem:$0x1F900] =	vst v63  }
0x39: {  	_ =	swait.ge [sflag:s9], $0x1000  }
0x3a: {  	[sflag:s9] =	ssyncset.done $0x0  }
0x3b: {  	s24 =	rddreg [dreg:$0xa];
	[sflag:s9] =	ssyncadd.s32 $0xFFFFF000  }
0x3c: {  	[spmem:s24] =	stream.linear.scatter [tilespmem:s12], [sflag:$0x5], $0x1000, $0x38;
	[tilespmem:$0x1F900] =	vst v63  }
0x3d: {  	_ =	swait.ge [sflag:s9], $0x1000  }
0x3e: {  	[sflag:s9] =	ssyncset.done $0x0  }
0x3f: {  	s25 =	rddreg [dreg:$0xb];
	[sflag:s9] =	ssyncadd.s32 $0xFFFFF000  }
0x40: {  	[spmem:s25] =	stream.linear.scatter [tilespmem:s12], [sflag:$0x5], $0x1000, $0x38;
	[tilespmem:$0x1F900] =	vst v63  }
0x41: {  	_ =	swait.ge [sflag:s9], $0x1000  }
0x42: {  	[sflag:s9] =	ssyncset.done $0x0  }
0x43: {  	s21 =	rddreg [dreg:$0xc];
	[sflag:s9] =	ssyncadd.s32 $0xFFFFF000  }
0x44: {  	[spmem:s21] =	stream.linear.scatter [tilespmem:s12], [sflag:$0x5], $0x1000, $0x38;
	[tilespmem:$0x1F900] =	vst v63  }
0x45: {  	_ =	swait.ge [sflag:s9], $0x1000  }
0x46: {  	[sflag:s9] =	ssyncset.done $0x0  }
0x47: {  	s22 =	rddreg [dreg:$0xd];
	[sflag:s9] =	ssyncadd.s32 $0xFFFFF000  }
0x48: {  	[spmem:s22] =	stream.linear.scatter [tilespmem:s12], [sflag:$0x5], $0x1000, $0x38;
	[tilespmem:$0x1F900] =	vst v63  }
0x49: {  	_ =	swait.ge [sflag:s9], $0x1000  }
0x4a: {  	[sflag:s9] =	ssyncset.done $0x0  }
0x4b: {  	s23 =	rddreg [dreg:$0xe];
	[sflag:s9] =	ssyncadd.s32 $0xFFFFF000  }
0x4c: {  	[spmem:s23] =	stream.linear.scatter [tilespmem:s12], [sflag:$0x5], $0x1000, $0x38;
	[tilespmem:$0x1F900] =	vst v63  }
0x4d: {  	_ =	swait.ge [sflag:s9], $0x1000  }
0x4e: {  	[sflag:s9] =	ssyncset.done $0x0  }
0x4f: {  	s24 =	rddreg [dreg:$0xf];
	[sflag:s9] =	ssyncadd.s32 $0xFFFFF000  }
0x50: {  	[spmem:s24] =	stream.linear.scatter [tilespmem:s12], [sflag:$0x5], $0x1000, $0x38;
	[tilespmem:$0x1F900] =	vst v63  }
0x51: {  	_ =	swait.ge [sflag:s9], $0x1000  }
0x52: {  	[sflag:s9] =	ssyncset.done $0x0  }
0x53: {  	s25 =	rddreg [dreg:$0x10];
	[sflag:s9] =	ssyncadd.s32 $0xFFFFF000  }
0x54: {  	[spmem:s25] =	stream.linear.scatter [tilespmem:s12], [sflag:$0x5], $0x1000, $0x38;
	[tilespmem:$0x1F900] =	vst v63  }
0x55: {  	_ =	swait.ge [sflag:s9], $0x1000  }
0x56: {  	[sflag:s9] =	ssyncset.done $0x0  }
0x57: {  	s21 =	rddreg [dreg:$0x11];
	[sflag:s9] =	ssyncadd.s32 $0xFFFFF000  }
0x58: {  	[spmem:s21] =	stream.linear.scatter [tilespmem:s12], [sflag:$0x5], $0x1000, $0x38;
	[tilespmem:$0x1F900] =	vst v63  }
0x59: {  	_ =	swait.ge [sflag:s9], $0x1000  }
0x5a: {  	[sflag:s9] =	ssyncset.done $0x0  }
0x5b: {  	s22 =	rddreg [dreg:$0x12];
	[sflag:s9] =	ssyncadd.s32 $0xFFFFF000  }
0x5c: {  	[spmem:s22] =	stream.linear.scatter [tilespmem:s12], [sflag:$0x5], $0x1000, $0x38;
	[tilespmem:$0x1F900] =	vst v63  }
0x5d: {  	_ =	swait.ge [sflag:s9], $0x1000  }
0x5e: {  	[sflag:s9] =	ssyncset.done $0x0  }
0x5f: {  	s23 =	rddreg [dreg:$0x15];
	[sflag:s9] =	ssyncadd.s32 $0xFFFFF000  }
0x60: {  	[spmem:s23] =	stream.linear.scatter [tilespmem:s12], [sflag:$0x5], $0x1000, $0x38;
	[tilespmem:$0x1F900] =	vst v63  }
0x61: {  	_ =	swait.ge [sflag:s9], $0x1000  }
0x62: {  	[sflag:s9] =	ssyncset.done $0x0  }
0x63: {  	[sflag:s9] =	ssyncadd.s32 $0xFFFFF000  }
0x64: {  	[spmem:s26] =	stream.linear.scatter [tilespmem:s12], [sflag:$0x5], $0x1000, $0x38;
	[tilespmem:$0x1F900] =	vst v63  }
0x65: {  	_ =	swait.ge [sflag:s9], $0x1000  }
0x66: {  	[sflag:s9] =	ssyncset.done $0x0  }
0x67: {  	[sflag:s9] =	ssyncadd.s32 $0xFFFFF000  }
0x68: {  	[spmem:s28] =	stream.linear.scatter [tilespmem:s12], [sflag:$0x5], $0x1000, $0x38;
	[tilespmem:$0x1F900] =	vst v63  }
0x69: {  	_ =	swait.ge [sflag:s9], $0x1000  }
0x6a: {  	[sflag:s9] =	ssyncset.done $0x0  }
0x6b: {  	[sflag:s9] =	ssyncadd.s32 $0xFFFFF000  }
0x6c: {  	[spmem:s29] =	stream.linear.scatter [tilespmem:s12], [sflag:$0x5], $0x1000, $0x38;
	[tilespmem:$0x1F900] =	vst v63  }
0x6d: {  	_ =	swait.ge [sflag:s9], $0x1000  }
0x6e: {  	[sflag:s9] =	ssyncset.done $0x0  }
0x6f: {  	[sflag:s9] =	ssyncadd.s32 $0xFFFFF000  }
0x70: {  	[spmem:s30] =	stream.linear.scatter [tilespmem:s12], [sflag:$0x5], $0x1000, $0x38;
	[tilespmem:$0x1F900] =	vst v63  }
0x71: {  	_ =	swait.ge [sflag:s9], $0x1000  }
0x72: {  	[sflag:s9] =	ssyncset.done $0x0  }
0x73: {  	[sflag:s9] =	ssyncadd.s32 $0xFFFFF000  }
0x74: {  	[spmem:s31] =	stream.linear.scatter [tilespmem:s12], [sflag:$0x5], $0x1000, $0x38;
	[tilespmem:$0x1F900] =	vst v63  }
0x75: {  	_ =	swait.ge [sflag:s9], $0x1000  }
0x76: {  	[sflag:s9] =	ssyncset.done $0x0  }
0x77: {  	[sflag:s9] =	ssyncadd.s32 $0xFFFFF000  }
0x78: {  	[spmem:s0] =	stream.linear.scatter [tilespmem:s12], [sflag:$0x5], $0x1000, $0x38;
	[tilespmem:$0x1F900] =	vst v63  }
0x79: {  	_ =	swait.ge [sflag:s9], $0x1000  }
0x7a: {  	[sflag:s9] =	ssyncset.done $0x0  }
0x7b: {  	[sflag:s9] =	ssyncadd.s32 $0xFFFFF000  }
0x7c: {  	[spmem:s2] =	stream.linear.scatter [tilespmem:s12], [sflag:$0x5], $0x1000, $0x38;
	[tilespmem:$0x1F900] =	vst v63  }
0x7d: {  	_ =	swait.ge [sflag:s9], $0x1000  }
0x7e: {  	[sflag:s9] =	ssyncset.done $0x0  }
0x7f: {  	[sflag:s9] =	ssyncadd.s32 $0xFFFFF000  }
0x80: {  	[bflag:$0x0] =	sbarrier.arrive $0xFFFF  }
0x81: {  	[tilespmem:s10], [sflag:$0x5] =	stream.linear.gather [hbm4b:s5+s3], $0x80, $0x38;
	[tilespmem:$0x1F900] =	vst v63  }
0x82: {  	_ =	swait.ge [sflag:s9], $0x80  }
0x83: {  	[sflag:s9] =	ssyncset.done $0x0  }
0x84: {  	[sflag:s9] =	ssyncadd.s32 $0xFFFFFF80  }
0x85: {  	[tilespmem:s13], [sflag:$0x2] =	stream.indirect.gather [hbm4b:s4+s10], $0x80, s10, s10, $0xb8;
	[tilespmem:$0x1F900] =	vst v63  }
0x86: {  	_ =	swait.ge [sflag:s7], $0x4000  }
0x87: {  	[sflag:s7] =	ssyncset.done $0x0  }
0x88: {  	[sflag:s7] =	ssyncadd.s32 $0xFFFFC000  }
0x89: {  	[spmem:s1] =	stream.indirect.scatter.add.f32 [tilespmem:s11], [sflag:$0x3], $0x80, s6, s10, $0xb8;
	[tilespmem:$0x1F900] =	vst v63  }
0x8a: {  	_ =	swait.ge [sflag:s14], $0x4000  }
0x8b: {  	[sflag:s14] =	ssyncset.done $0x0  }
0x8c: {  	s24 =	simm.s32 $0x180;
	[sflag:s14] =	ssyncadd.s32 $0xFFFFC000  }
0x8d: {  	[spmem:s1] =	stream.indirect.scatter.add.f32 [tilespmem:s13], [sflag:$0x4], $0x80, s24, s10, $0xb8;
	[tilespmem:$0x1F900] =	vst v63  }
0x8e: {  	_ =	swait.ge [sflag:s15], $0x4000  }
0x8f: {  	[sflag:s15] =	ssyncset.done $0x0  }
0x90: {  	s25 =	rddreg [dreg:$0x13];
	[sflag:s15] =	ssyncadd.s32 $0xFFFFC000  }
0x91: {  	[tilespmem:s3], [sflag:$0x5] =	stream.linear.gather [hbm4b:s25+s3], $0x80, $0x38;
	[tilespmem:$0x1F900] =	vst v63  }
0x92: {  	_ =	swait.ge [sflag:s9], $0x80  }
0x93: {  	s20 =	simm.s32 $0x0;
	[sflag:s9] =	ssyncset.done $0x0  }
0x94: {  	s24 =	smov.u32 s18;
	s23 =	rddreg [dreg:$0x14];
	[sflag:s9] =	ssyncadd.s32 $0xFFFFFF80  }
0x95: {  	[tilespmem:s11], [sflag:$0x1] =	stream.indirect.gather [hbm4b:s4+s10], $0x80, s3, s10, $0xb8;
	[tilespmem:$0x1F900] =	vst v63  }
.LBB2_2:
0x96: {  	_ =	swait.ge [sflag:s16], $0x4000  }
0x97: {  	[sflag:s16] =	ssyncset.done $0x0  }
0x98: {  	[sflag:s16] =	ssyncadd.s32 $0xFFFFC000  }
0x99: {  	[tilespmem:s10], [sflag:$0x5] =	stream.linear.gather [hbm4b:s24+s3], $0x80, $0x38;
	[tilespmem:$0x1F900] =	vst v63  }
0x9a: {  	_ =	swait.ge [sflag:s9], $0x80  }
0x9b: {  	[sflag:s9] =	ssyncset.done $0x0  }
0x9c: {  	[sflag:s9] =	ssyncadd.s32 $0xFFFFFF80  }
0x9d: {  	[tilespmem:s13], [sflag:$0x2] =	stream.indirect.gather [hbm4b:s4+s10], $0x80, s10, s10, $0xb8;
	[tilespmem:$0x1F900] =	vst v63  }
0x9e: {  	_ =	swait.ge [sflag:s7], $0x4000  }
0x9f: {  	s21 =	sshra.s32 s20, $0x2;
	[sflag:s7] =	ssyncset.done $0x0  }
0xa0: {  	s22 =	sadd.s32 $0x200, s21;
	[sflag:s7] =	ssyncadd.s32 $0xFFFFC000  }
0xa1: {  	[spmem:s1] =	stream.indirect.scatter.add.f32 [tilespmem:s11], [sflag:$0x3], $0x80, s22, s10, $0xb8;
	[tilespmem:$0x1F900] =	vst v63  }
0xa2: {  	_ =	swait.ge [sflag:s14], $0x4000  }
0xa3: {  	[sflag:s14] =	ssyncset.done $0x0  }
0xa4: {  	p0 =	seq.s32 s20, $0x9800;
	s21 =	sadd.s32 $0x280, s21;
	[sflag:s14] =	ssyncadd.s32 $0xFFFFC000  }
0xa5: {  	[spmem:s1] =	stream.indirect.scatter.add.f32 [tilespmem:s13], [sflag:$0x4], $0x80, s21, s10, $0xb8;
	[tilespmem:$0x1F900] =	vst v63  }
0xa6: {  	s21 =	simm.s32 @!p0 $0x3  }
0xa7: {  	s20 =	sadd.s32 @!p0 $0x400, s20;
	_ =	swait.ge @!p0 [sflag:s21], $0x4000  }
0xa8: {  	p1 =	sne.s32 @!p0 s20, $0x9C00;
	[sflag:s21] =	ssyncset.done @!p0 $0x0  }
0xa9: {  	p1 =	por p0, !p1;
	[sflag:s21] =	ssyncadd.s32 @!p0 $0xFFFFC000;
	s21 =	simm.s32 @!p0 $0x0  }
0xaa: {  	[tilespmem:s21], [sflag:$0x5] =	stream.linear.gather @!p0 [hbm4b:s23+s21], $0x80, $0x38;
	[tilespmem:$0x1F900] =	vst v63  }
.Ltmp0:
0xab: {  	s22 =	simm.s32 @!p0 $0x5;
	(pc) =	sbr.rel @!p1 .LBB2_2-.Ltmp0, $4  }
0xac: {  	_ =	swait.ge @!p0 [sflag:s22], $0x80  }
0xad: {  	s25 =	simm.s32 @!p0 $0x2900;
	s24 =	sadd.s32 @!p0 $0x20, s24;
	[sflag:s22] =	ssyncset.done @!p0 $0x0  }
0xae: {  	s23 =	sadd.s32 @!p0 $0x20, s23;
	[sflag:s22] =	ssyncadd.s32 @!p0 $0xFFFFFF80;
	s22 =	simm.s32 @!p0 $0x80  }
0xaf: {  	[tilespmem:s25], [sflag:$0x1] =	stream.indirect.gather @!p0 [hbm4b:s4+s22], $0x80, s21, s22, $0xb8;
	[tilespmem:$0x1F900] =	vst v63  }
0xb0: {  	_ =	swait.ge [sflag:s15], $0x4000  }
0xb1: {  	[sflag:s15] =	ssyncset.done $0x0  }
0xb2: {  	[sflag:s15] =	ssyncadd.s32 $0xFFFFC000  }
0xb3: {  	_ =	swait.ge [sflag:s16], $0x4000  }
0xb4: {  	[sflag:s16] =	ssyncset.done $0x0  }
0xb5: {  	s20 =	stileid.u32;
	[sflag:s16] =	ssyncadd.s32 $0xFFFFC000  }
0xb6: {  	s20 =	sshll.u32 s20, $0x6;
	[bflag:$0x0] =	sbarrier.arrive $0xFFFF  }
0xb7: {  	s21 =	sshrl.u32 s8, $0x3;
	s20 =	sor.u32 $0x1C05, s20;
	s22 =	rddreg [dreg:$0x6]  }
0xb8: {  	[hbm:s22], [sflag:s20] =	dma.local [spmem:s21], $0x2800  }
0xb9: {  	_ =	swait.ge [sflag:s9], $0x2800  }
0xba: {  	s17 =	sadd.s32 $0x1, s17;
	s25 =	rddreg [dreg:$0x7]  }
0xbb: {  	p0 =	sne.s32 s17, s25  }
.Ltmp1:
0xbc: {  	_ = 	snop;
	(pc) =	sbr.rel @p0 .LBB2_1-.Ltmp1, $3  }
0xbd: {  	_ =	sdelay $0x1  }
0xbe: {  	[sflag:s9] =	ssyncset.done $0x0  }
0xbf: {  	[sflag:s9] =	ssyncadd.s32 $0xFFFFD800  }
0xc0: {  	_ =	sfence.sel $0x180000  }
0xc1: {  	[bflag:$0x0] =	sbarrier.arrive $0xFFFF  }
0xc2: {  	_ =	strace $0x9000004A  }
0xc3: {  	s0 =	stileid.u32;
	[bflag:$0x2] =	sbarrier.arrive $0xFFFF  }
0xc4: {  	p0 =	sne.s32 s0, $0x0;
	s0 =	rddreg [dreg:$0x3]  }
0xc5: {  	s0 =	sadd.s32 @!p0 $0x100000, s0  }
0xc6: {  	[sflag:s0] =	ssyncadd.tile.s32 @!p0 $0x1;
	_ =	shalt  }
.Lfunc_end2:
_tile_overlayer_lowered:
.L_overlay_start_2:
0xc7: {  	(tag) =	ssettag $0x2  }
0xc8: {  	s0 =	rddreg [dreg:$0x0];
	s2 =	stileid.u32  }
0xc9: {  	s1 =	rddreg [dreg:$0x1];
	p0 =	sne.s32 s2, $0x0  }
0xca: {  	s3 =	rddreg [dreg:$0x2];
	[bflag:$0x3] =	sbarrier.arrive $0xFFFF;
	s2 =	simm.s32 @!p0 $0x1C05  }
0xcb: {  	[timem:s3], [sflag:s2] =	dma.local @!p0 [hbm:s0], s1  }
0xcc: {  	s0 =	simm.s32 @!p0 $0x5  }
0xcd: {  	_ =	swait.ge @!p0 [sflag:s0], s1  }
0xce: {  	s1 =	ssub.s32 @!p0 $0x0, s1;
	[sflag:s0] =	ssyncset.done @!p0 $0x0  }
0xcf: {  	[sflag:s0] =	ssyncadd.s32 @!p0 s1  }
0xd0: {  	[bflag:$0x3] =	sbarrier.arrive $0xFFFF  }
0xd1: {  	_ =	shalt  }

// kernel: kernel.16.cloned.1.call-start
scs
__scs_entry_jumppad:
0x0: {  	(pc) =	sbr.rel $0x88, $3  }
0x1: {  	(tag) =	ssettag $0x0;
	lr =	simm.s32 $0x1  }
0x2: {  	[smem:$0x3F8F] =	sst lr;
	_ =	strace $0xD0000000  }
0x3: {  	_ = 	snop  }
0x4: {  	_ = 	snop  }
0x5: {  	_ = 	snop  }
0x6: {  	_ = 	snop  }
0x7: {  	_ = 	snop  }
__scs_overlays_trampoline_lowered:
0x8: {  	[smem:$0x3F9E] =	sst s0  }
0x9: {  	[smem:$0x3F9F] =	sst s1  }
0xa: {  	[smem:$0x3FA0] =	sst s2  }
0xb: {  	[smem:$0x3FA1] =	sst s3  }
0xc: {  	[smem:$0x3FA2] =	sst s4  }
0xd: {  	[smem:$0x3FA3] =	sst s5  }
0xe: {  	[smem:$0x3FA4] =	sst s6  }
0xf: {  	[smem:$0x3FA5] =	sst s7  }
0x10: {  	[smem:$0x3FA6] =	sst s8  }
0x11: {  	[smem:$0x3FA7] =	sst s9;
	s0 =	simm.s32 @!p0 $0x0  }
0x12: {  	s1 =	sld [smem:$0x3F8D];
	s0 =	simm.s32 @p0 $0x1  }
0x13: {  	[smem:$0x3FA8] =	sst s0;
	s0 =	simm.s32 @!p1 $0x0  }
0x14: {  	s2 =	sld [smem:$0x3F8C];
	s0 =	simm.s32 @p1 $0x1  }
0x15: {  	[smem:$0x3FA9] =	sst s0;
	s0 =	simm.s32 @!p2 $0x0  }
0x16: {  	s3 =	sld [smem:$0x3FDB];
	s0 =	simm.s32 @p2 $0x1  }
0x17: {  	s4 =	simm.s32 $0x1BF5;
	[smem:$0x3FAB] =	sst s0  }
0x18: {  	s0 =	sld [smem:$0x3F8E];
	_ =	swait.ge [sflag:s4], $0x0  }
0x19: {  	s7 =	sld [smem:$0x3F8F]  }
0x1a: {  	s8 =	sadd.s32 $0xFFFFE003, lr  }
0x1b: {  	s9 =	sadd.s32 $0xFFFFFEF7, lr;
	s5 =	simm.s32 $0xFFFFFFFF;
	p2 =	slt.u32 s8, $0xFFFFF086  }
0x1c: {  	p1 =	slt.u32 s9, $0xF7A;
	s5 =	simm.s32 @!p2 $0x0  }
0x1d: {  	s5 =	simm.s32 @p1 $0x1;
	p0 =	seq.s32 s7, s2  }
0x1e: {  	s7 =	smul.u32 @!p0 $0xF7A, s2;
	p2 =	seq.s32 @!p0 s5, $0x0  }
0x1f: {  	s9 =	smul.u32 $0xF7A, s1;
	s8 =	simm.s32 @!p0 $0x1BF5;
	p2 =	por !p2, p0  }
0x20: {  	[sflag:s8] =	ssyncset.s32 @!p0 $0xFFFFF086;
	s6 =	sadd.s32 @!p0 s3, s7;
	s7 =	simm.s32 @!p0 $0x108  }
0x21: {  	s3 =	sadd.s32 s3, s9;
	s6 =	sadd.s32 @!p0 $0x88, s6;
	s7 =	simm.s32 @p2 $0x1082  }
0x22: {  	[simem:s7], [sflag:s8] =	dma.local @!p0 [hbm:s6], $0xF7A  }
0x23: {  	s9 =	sor.u32 $0xD0000000, s2;
	s6 =	simm.s32 $0x108;
	_ =	swait.ge @!p0 [sflag:s8], $0x0  }
0x24: {  	s3 =	sadd.s32 $0x88, s3;
	s6 =	simm.s32 @!p1 $0x1082;
	[sflag:s4] =	ssyncset.s32 $0xFFFFF086  }
0x25: {  	[simem:s6], [sflag:s4] =	dma.local [hbm:s3], $0xF7A  }
0x26: {  	[smem:$0x3F8F] =	sst s1;
	(tag) =	ssettag s2;
	_ =	strace s9  }
0x27: {  	s1 =	sld [smem:$0x3F9F]  }
0x28: {  	s2 =	sld [smem:$0x3FA0]  }
0x29: {  	s4 =	sld [smem:$0x3FA2]  }
0x2a: {  	p0 =	seq.s32 s5, $0x0;
	s5 =	sld [smem:$0x3FA3]  }
0x2b: {  	s6 =	sld [smem:$0x3FA4]  }
0x2c: {  	s7 =	sld [smem:$0x3FA5]  }
0x2d: {  	s3 =	simm.s32 $0x108;
	s8 =	sld [smem:$0x3FA6]  }
0x2e: {  	s3 =	simm.s32 @!p0 $0x1082;
	s9 =	sld [smem:$0x3FA7]  }
0x2f: {  	lr =	sadd.s32 s0, s3;
	s0 =	sld [smem:$0x3F9E]  }
0x30: {  	s3 =	sld [smem:$0x3FA1]  }
0x31: {  	[smem:$0x3FAA] =	sst s10  }
0x32: {  	s10 =	sld [smem:$0x3FA8];
	_ =	sdelay $0x3  }
0x33: {  	p0 =	seq.s32 s10, $0x1;
	s10 =	sld [smem:$0x3FAA];
	_ =	sdelay $0x3  }
0x34: {  	[smem:$0x3FAA] =	sst s10  }
0x35: {  	s10 =	sld [smem:$0x3FA9];
	_ =	sdelay $0x3  }
0x36: {  	p1 =	seq.s32 s10, $0x1;
	s10 =	sld [smem:$0x3FAA];
	_ =	sdelay $0x3  }
0x37: {  	[smem:$0x3FAA] =	sst s10  }
0x38: {  	s10 =	sld [smem:$0x3FAB]  }
0x39: {  	_ = 	snop;
	(pc) =	sbr.ind lr, $3  }
0x3a: {  	_ = 	snop  }
0x3b: {  	_ = 	snop  }
0x3c: {  	p2 =	seq.s32 s10, $0x1;
	s10 =	sld [smem:$0x3FAA]  }
0x3d: {  	_ =	shalt  }
0x3e: {  	_ =	shalt  }
0x3f: {  	_ =	shalt  }
0x40: {  	_ =	shalt  }
0x41: {  	_ =	shalt  }
0x42: {  	_ =	shalt  }
0x43: {  	_ =	shalt  }
0x44: {  	_ =	shalt  }
0x45: {  	_ =	shalt  }
0x46: {  	_ =	shalt  }
0x47: {  	_ =	shalt  }
0x48: {  	_ =	shalt  }
0x49: {  	_ =	shalt  }
0x4a: {  	_ =	shalt  }
0x4b: {  	_ =	shalt  }
0x4c: {  	_ =	shalt  }
0x4d: {  	_ =	shalt  }
0x4e: {  	_ =	shalt  }
0x4f: {  	_ =	shalt  }
0x50: {  	_ =	shalt  }
0x51: {  	_ =	shalt  }
0x52: {  	_ =	shalt  }
0x53: {  	_ =	shalt  }
0x54: {  	_ =	shalt  }
0x55: {  	_ =	shalt  }
0x56: {  	_ =	shalt  }
0x57: {  	_ =	shalt  }
0x58: {  	_ =	shalt  }
0x59: {  	_ =	shalt  }
0x5a: {  	_ =	shalt  }
0x5b: {  	_ =	shalt  }
0x5c: {  	_ =	shalt  }
0x5d: {  	_ =	shalt  }
0x5e: {  	_ =	shalt  }
0x5f: {  	_ =	shalt  }
0x60: {  	_ =	shalt  }
0x61: {  	_ =	shalt  }
0x62: {  	_ =	shalt  }
0x63: {  	_ =	shalt  }
0x64: {  	_ =	shalt  }
0x65: {  	_ =	shalt  }
0x66: {  	_ =	shalt  }
0x67: {  	_ =	shalt  }
0x68: {  	_ =	shalt  }
0x69: {  	_ =	shalt  }
0x6a: {  	_ =	shalt  }
0x6b: {  	_ =	shalt  }
0x6c: {  	_ =	shalt  }
0x6d: {  	_ =	shalt  }
0x6e: {  	_ =	shalt  }
0x6f: {  	_ =	shalt  }
0x70: {  	_ =	shalt  }
0x71: {  	_ =	shalt  }
0x72: {  	_ =	shalt  }
0x73: {  	_ =	shalt  }
0x74: {  	_ =	shalt  }
0x75: {  	_ =	shalt  }
0x76: {  	_ =	shalt  }
0x77: {  	_ =	shalt  }
0x78: {  	_ =	shalt  }
0x79: {  	_ =	shalt  }
0x7a: {  	_ =	shalt  }
0x7b: {  	_ =	shalt  }
0x7c: {  	_ =	shalt  }
0x7d: {  	_ =	shalt  }
0x7e: {  	_ =	shalt  }
0x7f: {  	_ =	shalt  }
0x80: {  	_ =	shalt  }
0x81: {  	_ =	shalt  }
0x82: {  	_ =	shalt  }
0x83: {  	_ =	shalt  }
0x84: {  	_ =	shalt  }
0x85: {  	_ =	shalt  }
0x86: {  	_ =	shalt  }
0x87: {  	_ =	shalt  }
.Lfunc_end0:
.L_simem_size_0:
called_computation.2_lowered:
.L_overlay_start_0:
0x88: {  	s2 =	sld [smem:$0x3FD9]  }
0x89: {  	s3 =	sld [smem:$0x3FFE];
	_ =	sdelay $0x1  }
0x8a: {  	s1 =	srdreg.scid  }
0x8b: {  	s0 =	sand.u32 $0x1, s1  }
0x8c: {  	s17 =	sshll.u32 s0, $0xA;
	s2 =	sadd.s32 s3, s2  }
0x8d: {  	s2 =	sadd.s32 s2, s17  }
0x8e: {  	[smem:$0x3FB6] =	sst s2  }
0x8f: {  	_ = 	snop  }
0x90: {  	s2 =	sld [smem:$0x3FD0];
	(tm) =	ssettm $0x1  }
0x91: {  	s18 =	sld [smem:$0x3FFB];
	_ =	sdelay $0x3  }
0x92: {  	_ =	strace s18  }
0x93: {  	s3 =	sld [smem:$0x3FFC];
	_ =	sdelay $0x3  }
0x94: {  	_ =	strace s3  }
0x95: {  	s3 =	sld [smem:$0x3FFD];
	_ =	sdelay $0x3  }
0x96: {  	_ =	strace s3  }
0x97: {  	_ =	strace $0x8FFFFFFF  }
0x98: {  	s19 =	sld [smem:$0x3FDB];
	_ =	sdelay $0x1  }
0x99: {  	s4 =	simm.s32 $_scs_section_size  }
0x9a: {  	s5 =	simm.s32 $_size__tile_overlayer_lowered;
	s6 =	simm.s32 $_tile_overlayer_lowered  }
0x9b: {  	s22 =	simm.s32 $0x1BFF;
	s21 =	sshll.u32 s6, $0x1;
	s3 =	sadd.s32 s4, s19  }
0x9c: {  	s7 =	simm.s32 $0x0;
	s20 =	sshll.u32 s5, $0x1;
	s5 =	sadd.s32 s21, s3  }
0x9d: {  	[timem:s7], [sflag:s22] =	dma.local [hbm:s5], s20  }
0x9e: {  	_ =	swait.ge [sflag:s22], s20  }
0x9f: {  	s4 =	ssub.s32 $0x0, s20;
	[sflag:s22] =	ssyncset.done $0x0  }
0xa0: {  	[sflag:s22] =	ssyncadd.s32 s4;
	_ =	sdelay $0x1  }
0xa1: {  	s23 =	simm.s32 $0x1B8B  }
0xa2: {  	_ =	swait.ge [sflag:s23], $0x1  }
0xa3: {  	[sflag:s23] =	ssyncset.done $0x0  }
0xa4: {  	s25 =	simm.s32 $0x1B8E;
	s24 =	sld [smem:$0x3FFE];
	[sflag:s23] =	ssyncadd.s32 $0xFFFFFFFF  }
0xa5: {  	s26 =	simm.s32 $execute0_lowered;
	[smem:$0x3FD2] =	sst s25  }
0xa6: {  	s5 =	sshll.u32 s26, $0x1;
	_ =	strace $0x8000004C;
	[dreg:$0x1] =	wrdreg $0xFFFFFFFF  }
0xa7: {  	s28 =	simm.s32 $_size_execute0_lowered;
	s3 =	sadd.s32 s3, s5;
	[dreg:$0x0] =	wrdreg $0x0  }
0xa8: {  	s5 =	sshll.u32 s28, $0x1;
	[dreg:$0x2] =	wrdreg s3  }
0xa9: {  	[dreg:$0x3] =	wrdreg s5  }
0xaa: {  	[dreg:$0x4] =	wrdreg $0xC0  }
0xab: {  	_ =	task [dreg:s7], $0x5FFFF  }
0xac: {  	[dreg:$0x1] =	wrdreg $0xFFFFFFFF  }
0xad: {  	[dreg:$0x0] =	wrdreg $0x60  }
0xae: {  	[dreg:$0x2] =	wrdreg s24  }
0xaf: {  	[dreg:$0x3] =	wrdreg s2  }
0xb0: {  	[dreg:$0x4] =	wrdreg $0xB9000  }
0xb1: {  	[dreg:$0x5] =	wrdreg $0x9  }
0xb2: {  	_ =	task.clear_ibuf [dreg:s7], $0x6FFFF;
	_ =	strace $0x9000004C  }
0xb3: {  	s29 =	simm.s32 $0x9;
	_ =	strace $0x8000004E  }
0xb4: {  	_ =	swait.ge [sflag:s29], $0x1  }
0xb5: {  	[sflag:s29] =	ssyncadd.s32 $0xFFFFFFFF  }
0xb6: {  	_ =	strace $0x9000004E  }
0xb7: {  	_ =	sfence  }
0xb8: {  	s30 =	sld [smem:$0x0];
	_ =	sdelay $0x2  }
0xb9: {  	s31 =	sshll.u32 s1, $0xD;
	s1 =	sshrl.u32 s1, $0x2  }
0xba: {  	s3 =	sand.u32 $0x4000, s31;
	s1 =	sadd.s32 s1, s30  }
0xbb: {  	s0 =	sor.u32 s3, s0;
	s1 =	sshll.u32 s1, $0x11  }
0xbc: {  	s0 =	sor.u32 s1, s0  }
0xbd: {  	s0 =	sadd.s32 $0x8F2B, s0  }
0xbe: {  	[sflag:s0] =	ssyncadd.remote.s32 $0x1  }
0xbf: {  	_ =	sfence.sel $0xFFFF  }
0xc0: {  	[dreg:$0x0] =	wrdreg $0xFFFFFFFF;
	(pc) =	sbr.abs _section_cstart, $3  }
0xc1: {  	[dreg:$0x1] =	wrdreg $0xFFFFFFFF  }
0xc2: {  	_ =	task.clear_ibuf [dreg:s7], $0x2FFFF;
	_ =	strace $0x9FFFFFFF  }
0xc3: {  	(tm) =	ssettm $0x7FFFFFFF  }
tec
execute0_lowered:
.L_overlay_start_1:
0x0: {  	(tag) =	ssettag $0x1  }
0x1: {  	s0 =	rddreg [dreg:$0x0]  }
0x2: {  	s2 =	rddreg [dreg:$0x1]  }
0x3: {  	s1 =	rddreg [dreg:$0x2]  }
0x4: {  	s4 =	srdreg.scid;
	s3 =	simm.s32 $0x0;
	s11 =	stileid.u32  }
0x5: {  	s5 =	sand.u32 $0x1, s4;
	[smem:$0x7FF] =	sst s3;
	s7 =	smul.u32 $0x2800, s11  }
0x6: {  	s10 =	sadd.s32 $0x5400, s0;
	s12 =	sadd.s32 $0x4600, s0;
	s6 =	smul.u32 $0x28000, s5  }
0x7: {  	s4 =	sshll.u32 s5, $0x4;
	_ =	strace $0x8000004D;
	s5 =	ssub.s32 $0x2, s5  }
0x8: {  	[dreg:$0x4] =	wrdreg s12;
	s8 =	sor.u32 s11, s4;
	s11 =	smul.u32 $0x50000, s11  }
0x9: {  	s4 =	sadd.s32 $0xF400, s0;
	s26 =	sshrl.u32 s5, $0x1;
	s9 =	smul.u32 $0x2800, s8  }
0xa: {  	s8 =	smul.u32 $0x500, s8;
	s6 =	sadd.s32 s7, s6;
	s5 =	ssub.s32 s5, s26  }
0xb: {  	s0 =	sadd.s32 s6, s0;
	s12 =	smax.u32 s5, $0x1;
	s24 =	sor.u32 $0x200, s6  }
0xc: {  	s2 =	sadd.s32 s2, s8;
	s8 =	sshrl.u32 s11, $0x2;
	[dreg:$0x7] =	wrdreg s12  }
0xd: {  	s0 =	sadd.s32 $0x36600, s0;
	[dreg:$0x5] =	wrdreg s2;
	s8 =	sadd.s32 s8, s1  }
0xe: {  	s25 =	sor.u32 $0x180, s6;
	[dreg:$0x6] =	wrdreg s0;
	s13 =	sadd.s32 $0x1000, s8  }
0xf: {  	s6 =	simm.s32 $0x100;
	s14 =	sadd.s32 $0x2000, s8;
	[dreg:$0x8] =	wrdreg s13  }
0x10: {  	s7 =	sshrl.u32 s9, $0x3;
	s15 =	sadd.s32 $0x3000, s8;
	[dreg:$0x9] =	wrdreg s14  }
0x11: {  	s9 =	sor.u32 $0x100, s9;
	s16 =	sadd.s32 $0x4000, s8;
	[dreg:$0xa] =	wrdreg s15  }
0x12: {  	s5 =	sshrl.u32 s25, $0x3;
	s17 =	sadd.s32 $0x5000, s8;
	[dreg:$0xb] =	wrdreg s16  }
0x13: {  	s12 =	simm.s32 $0xA900;
	s18 =	sadd.s32 $0x6000, s8;
	[dreg:$0xc] =	wrdreg s17  }
0x14: {  	s11 =	sadd.s32 s10, s7;
	s19 =	sadd.s32 $0x7000, s8;
	[dreg:$0xd] =	wrdreg s18  }
0x15: {  	s2 =	sshrl.u32 s9, $0x3;
	s20 =	sadd.s32 $0x8000, s8;
	[dreg:$0xe] =	wrdreg s19  }
0x16: {  	s0 =	sshrl.u32 s24, $0x3;
	s21 =	sadd.s32 $0x9000, s8;
	[dreg:$0xf] =	wrdreg s20  }
0x17: {  	s9 =	simm.s32 $0x5;
	s22 =	sadd.s32 $0xA000, s8;
	[dreg:$0x10] =	wrdreg s21  }
0x18: {  	s7 =	simm.s32 $0x1;
	s23 =	sadd.s32 $0xB000, s8;
	[dreg:$0x11] =	wrdreg s22  }
0x19: {  	s2 =	sadd.s32 s10, s2;
	s0 =	sadd.s32 s0, s10;
	[dreg:$0x12] =	wrdreg s23  }
0x1a: {  	s26 =	sadd.s32 $0xC000, s8;
	s28 =	sadd.s32 $0xE000, s8;
	[dreg:$0x13] =	wrdreg s2  }
0x1b: {  	s29 =	sadd.s32 $0xF000, s8;
	s30 =	sadd.s32 $0x10000, s8;
	[dreg:$0x14] =	wrdreg s0  }
0x1c: {  	s31 =	sadd.s32 $0x11000, s8;
	s18 =	sadd.s32 s5, s10;
	[dreg:$0x15] =	wrdreg s26  }
0x1d: {  	s26 =	sadd.s32 $0xD000, s8;
	s0 =	sadd.s32 $0x12000, s8;
	s2 =	sadd.s32 $0x13000, s8  }
0x1e: {  	s19 =	smov.u32 s11;
	s5 =	sadd.s32 $0x10, s11;
	s10 =	simm.s32 $0x80  }
0x1f: {  	s11 =	simm.s32 $0x2900;
	s13 =	simm.s32 $0x6900;
	s14 =	simm.s32 $0x2  }
0x20: {  	s15 =	simm.s32 $0x3;
	s16 =	simm.s32 $0x4;
	s17 =	simm.s32 $0x0  }
.LBB2_1:
0x21: {  	s20 =	rddreg [dreg:$0x5]  }
0x22: {  	[tilespmem:s6], [sflag:$0x5] =	stream.linear.gather [hbm4b:s20+s3], $0x2800, $0x38;
	[tilespmem:$0x1F900] =	vst v63  }
0x23: {  	_ =	swait.ge [sflag:s9], $0x2800  }
0x24: {  	[sflag:s9] =	ssyncset.done $0x0  }
0x25: {  	[sflag:s9] =	ssyncadd.s32 $0xFFFFD800  }
0x26: {  	[tilespmem:s3], [sflag:$0x5] =	stream.linear.gather [hbm4b:s19+s3], $0x80, $0x38;
	[tilespmem:$0x1F900] =	vst v63  }
0x27: {  	_ =	swait.ge [sflag:s9], $0x80  }
0x28: {  	[sflag:s9] =	ssyncset.done $0x0  }
0x29: {  	[sflag:s9] =	ssyncadd.s32 $0xFFFFFF80  }
0x2a: {  	[tilespmem:s11], [sflag:$0x1] =	stream.indirect.gather [hbm4b:s4+s10], $0x80, s3, s10, $0xb8;
	[tilespmem:$0x1F900] =	vst v63  }
0x2b: {  	s21 =	rddreg [dreg:$0x4]  }
0x2c: {  	[tilespmem:s12], [sflag:$0x5] =	stream.linear.gather [hbm4b:s21+s3], $0x1000, $0x38;
	[tilespmem:$0x1F900] =	vst v63  }
0x2d: {  	_ =	swait.ge [sflag:s9], $0x1000  }
0x2e: {  	[sflag:s9] =	ssyncset.done $0x0  }
0x2f: {  	[sflag:s9] =	ssyncadd.s32 $0xFFFFF000  }
0x30: {  	[spmem:s8] =	stream.linear.scatter [tilespmem:s12], [sflag:$0x5], $0x1000, $0x38;
	[tilespmem:$0x1F900] =	vst v63  }
0x31: {  	_ =	swait.ge [sflag:s9], $0x1000  }
0x32: {  	[sflag:s9] =	ssyncset.done $0x0  }
0x33: {  	s22 =	rddreg [dreg:$0x8];
	[sflag:s9] =	ssyncadd.s32 $0xFFFFF000  }
0x34: {  	[spmem:s22] =	stream.linear.scatter [tilespmem:s12], [sflag:$0x5], $0x1000, $0x38;
	[tilespmem:$0x1F900] =	vst v63  }
0x35: {  	_ =	swait.ge [sflag:s9], $0x1000  }
0x36: {  	[sflag:s9] =	ssyncset.done $0x0  }
0x37: {  	s23 =	rddreg [dreg:$0x9];
	[sflag:s9] =	ssyncadd.s32 $0xFFFFF000  }
0x38: {  	[spmem:s23] =	stream.linear.scatter [tilespmem:s12], [sflag:$0x5], $0x1000, $0x38;
	[tilespmem:$0x1F900] =	vst v63  }
0x39: {  	_ =	swait.ge [sflag:s9], $0x1000  }
0x3a: {  	[sflag:s9] =	ssyncset.done $0x0  }
0x3b: {  	s24 =	rddreg [dreg:$0xa];
	[sflag:s9] =	ssyncadd.s32 $0xFFFFF000  }
0x3c: {  	[spmem:s24] =	stream.linear.scatter [tilespmem:s12], [sflag:$0x5], $0x1000, $0x38;
	[tilespmem:$0x1F900] =	vst v63  }
0x3d: {  	_ =	swait.ge [sflag:s9], $0x1000  }
0x3e: {  	[sflag:s9] =	ssyncset.done $0x0  }
0x3f: {  	s25 =	rddreg [dreg:$0xb];
	[sflag:s9] =	ssyncadd.s32 $0xFFFFF000  }
0x40: {  	[spmem:s25] =	stream.linear.scatter [tilespmem:s12], [sflag:$0x5], $0x1000, $0x38;
	[tilespmem:$0x1F900] =	vst v63  }
0x41: {  	_ =	swait.ge [sflag:s9], $0x1000  }
0x42: {  	[sflag:s9] =	ssyncset.done $0x0  }
0x43: {  	s21 =	rddreg [dreg:$0xc];
	[sflag:s9] =	ssyncadd.s32 $0xFFFFF000  }
0x44: {  	[spmem:s21] =	stream.linear.scatter [tilespmem:s12], [sflag:$0x5], $0x1000, $0x38;
	[tilespmem:$0x1F900] =	vst v63  }
0x45: {  	_ =	swait.ge [sflag:s9], $0x1000  }
0x46: {  	[sflag:s9] =	ssyncset.done $0x0  }
0x47: {  	s22 =	rddreg [dreg:$0xd];
	[sflag:s9] =	ssyncadd.s32 $0xFFFFF000  }
0x48: {  	[spmem:s22] =	stream.linear.scatter [tilespmem:s12], [sflag:$0x5], $0x1000, $0x38;
	[tilespmem:$0x1F900] =	vst v63  }
0x49: {  	_ =	swait.ge [sflag:s9], $0x1000  }
0x4a: {  	[sflag:s9] =	ssyncset.done $0x0  }
0x4b: {  	s23 =	rddreg [dreg:$0xe];
	[sflag:s9] =	ssyncadd.s32 $0xFFFFF000  }
0x4c: {  	[spmem:s23] =	stream.linear.scatter [tilespmem:s12], [sflag:$0x5], $0x1000, $0x38;
	[tilespmem:$0x1F900] =	vst v63  }
0x4d: {  	_ =	swait.ge [sflag:s9], $0x1000  }
0x4e: {  	[sflag:s9] =	ssyncset.done $0x0  }
0x4f: {  	s24 =	rddreg [dreg:$0xf];
	[sflag:s9] =	ssyncadd.s32 $0xFFFFF000  }
0x50: {  	[spmem:s24] =	stream.linear.scatter [tilespmem:s12], [sflag:$0x5], $0x1000, $0x38;
	[tilespmem:$0x1F900] =	vst v63  }
0x51: {  	_ =	swait.ge [sflag:s9], $0x1000  }
0x52: {  	[sflag:s9] =	ssyncset.done $0x0  }
0x53: {  	s25 =	rddreg [dreg:$0x10];
	[sflag:s9] =	ssyncadd.s32 $0xFFFFF000  }
0x54: {  	[spmem:s25] =	stream.linear.scatter [tilespmem:s12], [sflag:$0x5], $0x1000, $0x38;
	[tilespmem:$0x1F900] =	vst v63  }
0x55: {  	_ =	swait.ge [sflag:s9], $0x1000  }
0x56: {  	[sflag:s9] =	ssyncset.done $0x0  }
0x57: {  	s21 =	rddreg [dreg:$0x11];
	[sflag:s9] =	ssyncadd.s32 $0xFFFFF000  }
0x58: {  	[spmem:s21] =	stream.linear.scatter [tilespmem:s12], [sflag:$0x5], $0x1000, $0x38;
	[tilespmem:$0x1F900] =	vst v63  }
0x59: {  	_ =	swait.ge [sflag:s9], $0x1000  }
0x5a: {  	[sflag:s9] =	ssyncset.done $0x0  }
0x5b: {  	s22 =	rddreg [dreg:$0x12];
	[sflag:s9] =	ssyncadd.s32 $0xFFFFF000  }
0x5c: {  	[spmem:s22] =	stream.linear.scatter [tilespmem:s12], [sflag:$0x5], $0x1000, $0x38;
	[tilespmem:$0x1F900] =	vst v63  }
0x5d: {  	_ =	swait.ge [sflag:s9], $0x1000  }
0x5e: {  	[sflag:s9] =	ssyncset.done $0x0  }
0x5f: {  	s23 =	rddreg [dreg:$0x15];
	[sflag:s9] =	ssyncadd.s32 $0xFFFFF000  }
0x60: {  	[spmem:s23] =	stream.linear.scatter [tilespmem:s12], [sflag:$0x5], $0x1000, $0x38;
	[tilespmem:$0x1F900] =	vst v63  }
0x61: {  	_ =	swait.ge [sflag:s9], $0x1000  }
0x62: {  	[sflag:s9] =	ssyncset.done $0x0  }
0x63: {  	[sflag:s9] =	ssyncadd.s32 $0xFFFFF000  }
0x64: {  	[spmem:s26] =	stream.linear.scatter [tilespmem:s12], [sflag:$0x5], $0x1000, $0x38;
	[tilespmem:$0x1F900] =	vst v63  }
0x65: {  	_ =	swait.ge [sflag:s9], $0x1000  }
0x66: {  	[sflag:s9] =	ssyncset.done $0x0  }
0x67: {  	[sflag:s9] =	ssyncadd.s32 $0xFFFFF000  }
0x68: {  	[spmem:s28] =	stream.linear.scatter [tilespmem:s12], [sflag:$0x5], $0x1000, $0x38;
	[tilespmem:$0x1F900] =	vst v63  }
0x69: {  	_ =	swait.ge [sflag:s9], $0x1000  }
0x6a: {  	[sflag:s9] =	ssyncset.done $0x0  }
0x6b: {  	[sflag:s9] =	ssyncadd.s32 $0xFFFFF000  }
0x6c: {  	[spmem:s29] =	stream.linear.scatter [tilespmem:s12], [sflag:$0x5], $0x1000, $0x38;
	[tilespmem:$0x1F900] =	vst v63  }
0x6d: {  	_ =	swait.ge [sflag:s9], $0x1000  }
0x6e: {  	[sflag:s9] =	ssyncset.done $0x0  }
0x6f: {  	[sflag:s9] =	ssyncadd.s32 $0xFFFFF000  }
0x70: {  	[spmem:s30] =	stream.linear.scatter [tilespmem:s12], [sflag:$0x5], $0x1000, $0x38;
	[tilespmem:$0x1F900] =	vst v63  }
0x71: {  	_ =	swait.ge [sflag:s9], $0x1000  }
0x72: {  	[sflag:s9] =	ssyncset.done $0x0  }
0x73: {  	[sflag:s9] =	ssyncadd.s32 $0xFFFFF000  }
0x74: {  	[spmem:s31] =	stream.linear.scatter [tilespmem:s12], [sflag:$0x5], $0x1000, $0x38;
	[tilespmem:$0x1F900] =	vst v63  }
0x75: {  	_ =	swait.ge [sflag:s9], $0x1000  }
0x76: {  	[sflag:s9] =	ssyncset.done $0x0  }
0x77: {  	[sflag:s9] =	ssyncadd.s32 $0xFFFFF000  }
0x78: {  	[spmem:s0] =	stream.linear.scatter [tilespmem:s12], [sflag:$0x5], $0x1000, $0x38;
	[tilespmem:$0x1F900] =	vst v63  }
0x79: {  	_ =	swait.ge [sflag:s9], $0x1000  }
0x7a: {  	[sflag:s9] =	ssyncset.done $0x0  }
0x7b: {  	[sflag:s9] =	ssyncadd.s32 $0xFFFFF000  }
0x7c: {  	[spmem:s2] =	stream.linear.scatter [tilespmem:s12], [sflag:$0x5], $0x1000, $0x38;
	[tilespmem:$0x1F900] =	vst v63  }
0x7d: {  	_ =	swait.ge [sflag:s9], $0x1000  }
0x7e: {  	[sflag:s9] =	ssyncset.done $0x0  }
0x7f: {  	[sflag:s9] =	ssyncadd.s32 $0xFFFFF000  }
0x80: {  	[bflag:$0x0] =	sbarrier.arrive $0xFFFF  }
0x81: {  	[tilespmem:s10], [sflag:$0x5] =	stream.linear.gather [hbm4b:s5+s3], $0x80, $0x38;
	[tilespmem:$0x1F900] =	vst v63  }
0x82: {  	_ =	swait.ge [sflag:s9], $0x80  }
0x83: {  	[sflag:s9] =	ssyncset.done $0x0  }
0x84: {  	[sflag:s9] =	ssyncadd.s32 $0xFFFFFF80  }
0x85: {  	[tilespmem:s13], [sflag:$0x2] =	stream.indirect.gather [hbm4b:s4+s10], $0x80, s10, s10, $0xb8;
	[tilespmem:$0x1F900] =	vst v63  }
0x86: {  	_ =	swait.ge [sflag:s7], $0x4000  }
0x87: {  	[sflag:s7] =	ssyncset.done $0x0  }
0x88: {  	[sflag:s7] =	ssyncadd.s32 $0xFFFFC000  }
0x89: {  	[spmem:s1] =	stream.indirect.scatter.add.f32 [tilespmem:s11], [sflag:$0x3], $0x80, s6, s10, $0xb8;
	[tilespmem:$0x1F900] =	vst v63  }
0x8a: {  	_ =	swait.ge [sflag:s14], $0x4000  }
0x8b: {  	[sflag:s14] =	ssyncset.done $0x0  }
0x8c: {  	s24 =	simm.s32 $0x180;
	[sflag:s14] =	ssyncadd.s32 $0xFFFFC000  }
0x8d: {  	[spmem:s1] =	stream.indirect.scatter.add.f32 [tilespmem:s13], [sflag:$0x4], $0x80, s24, s10, $0xb8;
	[tilespmem:$0x1F900] =	vst v63  }
0x8e: {  	_ =	swait.ge [sflag:s15], $0x4000  }
0x8f: {  	[sflag:s15] =	ssyncset.done $0x0  }
0x90: {  	s25 =	rddreg [dreg:$0x13];
	[sflag:s15] =	ssyncadd.s32 $0xFFFFC000  }
0x91: {  	[tilespmem:s3], [sflag:$0x5] =	stream.linear.gather [hbm4b:s25+s3], $0x80, $0x38;
	[tilespmem:$0x1F900] =	vst v63  }
0x92: {  	_ =	swait.ge [sflag:s9], $0x80  }
0x93: {  	s20 =	simm.s32 $0x0;
	[sflag:s9] =	ssyncset.done $0x0  }
0x94: {  	s24 =	smov.u32 s18;
	s23 =	rddreg [dreg:$0x14];
	[sflag:s9] =	ssyncadd.s32 $0xFFFFFF80  }
0x95: {  	[tilespmem:s11], [sflag:$0x1] =	stream.indirect.gather [hbm4b:s4+s10], $0x80, s3, s10, $0xb8;
	[tilespmem:$0x1F900] =	vst v63  }
.LBB2_2:
0x96: {  	_ =	swait.ge [sflag:s16], $0x4000  }
0x97: {  	[sflag:s16] =	ssyncset.done $0x0  }
0x98: {  	[sflag:s16] =	ssyncadd.s32 $0xFFFFC000  }
0x99: {  	[tilespmem:s10], [sflag:$0x5] =	stream.linear.gather [hbm4b:s24+s3], $0x80, $0x38;
	[tilespmem:$0x1F900] =	vst v63  }
0x9a: {  	_ =	swait.ge [sflag:s9], $0x80  }
0x9b: {  	[sflag:s9] =	ssyncset.done $0x0  }
0x9c: {  	[sflag:s9] =	ssyncadd.s32 $0xFFFFFF80  }
0x9d: {  	[tilespmem:s13], [sflag:$0x2] =	stream.indirect.gather [hbm4b:s4+s10], $0x80, s10, s10, $0xb8;
	[tilespmem:$0x1F900] =	vst v63  }
0x9e: {  	_ =	swait.ge [sflag:s7], $0x4000  }
0x9f: {  	s21 =	sshra.s32 s20, $0x2;
	[sflag:s7] =	ssyncset.done $0x0  }
0xa0: {  	s22 =	sadd.s32 $0x200, s21;
	[sflag:s7] =	ssyncadd.s32 $0xFFFFC000  }
0xa1: {  	[spmem:s1] =	stream.indirect.scatter.add.f32 [tilespmem:s11], [sflag:$0x3], $0x80, s22, s10, $0xb8;
	[tilespmem:$0x1F900] =	vst v63  }
0xa2: {  	_ =	swait.ge [sflag:s14], $0x4000  }
0xa3: {  	[sflag:s14] =	ssyncset.done $0x0  }
0xa4: {  	p0 =	seq.s32 s20, $0x9800;
	s21 =	sadd.s32 $0x280, s21;
	[sflag:s14] =	ssyncadd.s32 $0xFFFFC000  }
0xa5: {  	[spmem:s1] =	stream.indirect.scatter.add.f32 [tilespmem:s13], [sflag:$0x4], $0x80, s21, s10, $0xb8;
	[tilespmem:$0x1F900] =	vst v63  }
0xa6: {  	s21 =	simm.s32 @!p0 $0x3  }
0xa7: {  	s20 =	sadd.s32 @!p0 $0x400, s20;
	_ =	swait.ge @!p0 [sflag:s21], $0x4000  }
0xa8: {  	p1 =	sne.s32 @!p0 s20, $0x9C00;
	[sflag:s21] =	ssyncset.done @!p0 $0x0  }
0xa9: {  	p1 =	por p0, !p1;
	[sflag:s21] =	ssyncadd.s32 @!p0 $0xFFFFC000;
	s21 =	simm.s32 @!p0 $0x0  }
0xaa: {  	[tilespmem:s21], [sflag:$0x5] =	stream.linear.gather @!p0 [hbm4b:s23+s21], $0x80, $0x38;
	[tilespmem:$0x1F900] =	vst v63  }
.Ltmp0:
0xab: {  	s22 =	simm.s32 @!p0 $0x5;
	(pc) =	sbr.rel @!p1 .LBB2_2-.Ltmp0, $4  }
0xac: {  	_ =	swait.ge @!p0 [sflag:s22], $0x80  }
0xad: {  	s25 =	simm.s32 @!p0 $0x2900;
	s24 =	sadd.s32 @!p0 $0x20, s24;
	[sflag:s22] =	ssyncset.done @!p0 $0x0  }
0xae: {  	s23 =	sadd.s32 @!p0 $0x20, s23;
	[sflag:s22] =	ssyncadd.s32 @!p0 $0xFFFFFF80;
	s22 =	simm.s32 @!p0 $0x80  }
0xaf: {  	[tilespmem:s25], [sflag:$0x1] =	stream.indirect.gather @!p0 [hbm4b:s4+s22], $0x80, s21, s22, $0xb8;
	[tilespmem:$0x1F900] =	vst v63  }
0xb0: {  	_ =	swait.ge [sflag:s15], $0x4000  }
0xb1: {  	[sflag:s15] =	ssyncset.done $0x0  }
0xb2: {  	[sflag:s15] =	ssyncadd.s32 $0xFFFFC000  }
0xb3: {  	_ =	swait.ge [sflag:s16], $0x4000  }
0xb4: {  	[sflag:s16] =	ssyncset.done $0x0  }
0xb5: {  	s20 =	stileid.u32;
	[sflag:s16] =	ssyncadd.s32 $0xFFFFC000  }
0xb6: {  	s20 =	sshll.u32 s20, $0x6;
	[bflag:$0x0] =	sbarrier.arrive $0xFFFF  }
0xb7: {  	s21 =	sshrl.u32 s8, $0x3;
	s20 =	sor.u32 $0x1C05, s20;
	s22 =	rddreg [dreg:$0x6]  }
0xb8: {  	[hbm:s22], [sflag:s20] =	dma.local [spmem:s21], $0x2800  }
0xb9: {  	_ =	swait.ge [sflag:s9], $0x2800  }
0xba: {  	s17 =	sadd.s32 $0x1, s17;
	s25 =	rddreg [dreg:$0x7]  }
0xbb: {  	p0 =	sne.s32 s17, s25  }
.Ltmp1:
0xbc: {  	_ = 	snop;
	(pc) =	sbr.rel @p0 .LBB2_1-.Ltmp1, $3  }
0xbd: {  	_ =	sdelay $0x1  }
0xbe: {  	[sflag:s9] =	ssyncset.done $0x0  }
0xbf: {  	[sflag:s9] =	ssyncadd.s32 $0xFFFFD800  }
0xc0: {  	_ =	sfence.sel $0x180000  }
0xc1: {  	[bflag:$0x0] =	sbarrier.arrive $0xFFFF  }
0xc2: {  	_ =	strace $0x9000004D  }
0xc3: {  	s0 =	stileid.u32;
	[bflag:$0x2] =	sbarrier.arrive $0xFFFF  }
0xc4: {  	p0 =	sne.s32 s0, $0x0;
	s0 =	rddreg [dreg:$0x3]  }
0xc5: {  	s0 =	sadd.s32 @!p0 $0x100000, s0  }
0xc6: {  	[sflag:s0] =	ssyncadd.tile.s32 @!p0 $0x1;
	_ =	shalt  }
.Lfunc_end2:
_tile_overlayer_lowered:
.L_overlay_start_2:
0xc7: {  	(tag) =	ssettag $0x2  }
0xc8: {  	s0 =	rddreg [dreg:$0x0];
	s2 =	stileid.u32  }
0xc9: {  	s1 =	rddreg [dreg:$0x1];
	p0 =	sne.s32 s2, $0x0  }
0xca: {  	s3 =	rddreg [dreg:$0x2];
	[bflag:$0x3] =	sbarrier.arrive $0xFFFF;
	s2 =	simm.s32 @!p0 $0x1C05  }
0xcb: {  	[timem:s3], [sflag:s2] =	dma.local @!p0 [hbm:s0], s1  }
0xcc: {  	s0 =	simm.s32 @!p0 $0x5  }
0xcd: {  	_ =	swait.ge @!p0 [sflag:s0], s1  }
0xce: {  	s1 =	ssub.s32 @!p0 $0x0, s1;
	[sflag:s0] =	ssyncset.done @!p0 $0x0  }
0xcf: {  	[sflag:s0] =	ssyncadd.s32 @!p0 s1  }
0xd0: {  	[bflag:$0x3] =	sbarrier.arrive $0xFFFF  }
0xd1: {  	_ =	shalt  }

// kernel: kernel.19.cloned.1.call-start
scs
__scs_entry_jumppad:
0x0: {  	(pc) =	sbr.rel $0x88, $3  }
0x1: {  	(tag) =	ssettag $0x0;
	lr =	simm.s32 $0x1  }
0x2: {  	[smem:$0x3F8F] =	sst lr;
	_ =	strace $0xD0000000  }
0x3: {  	_ = 	snop  }
0x4: {  	_ = 	snop  }
0x5: {  	_ = 	snop  }
0x6: {  	_ = 	snop  }
0x7: {  	_ = 	snop  }
__scs_overlays_trampoline_lowered:
0x8: {  	[smem:$0x3F9E] =	sst s0  }
0x9: {  	[smem:$0x3F9F] =	sst s1  }
0xa: {  	[smem:$0x3FA0] =	sst s2  }
0xb: {  	[smem:$0x3FA1] =	sst s3  }
0xc: {  	[smem:$0x3FA2] =	sst s4  }
0xd: {  	[smem:$0x3FA3] =	sst s5  }
0xe: {  	[smem:$0x3FA4] =	sst s6  }
0xf: {  	[smem:$0x3FA5] =	sst s7  }
0x10: {  	[smem:$0x3FA6] =	sst s8  }
0x11: {  	[smem:$0x3FA7] =	sst s9;
	s0 =	simm.s32 @!p0 $0x0  }
0x12: {  	s1 =	sld [smem:$0x3F8D];
	s0 =	simm.s32 @p0 $0x1  }
0x13: {  	[smem:$0x3FA8] =	sst s0;
	s0 =	simm.s32 @!p1 $0x0  }
0x14: {  	s2 =	sld [smem:$0x3F8C];
	s0 =	simm.s32 @p1 $0x1  }
0x15: {  	[smem:$0x3FA9] =	sst s0;
	s0 =	simm.s32 @!p2 $0x0  }
0x16: {  	s3 =	sld [smem:$0x3FDB];
	s0 =	simm.s32 @p2 $0x1  }
0x17: {  	s4 =	simm.s32 $0x1BF5;
	[smem:$0x3FAB] =	sst s0  }
0x18: {  	s0 =	sld [smem:$0x3F8E];
	_ =	swait.ge [sflag:s4], $0x0  }
0x19: {  	s7 =	sld [smem:$0x3F8F]  }
0x1a: {  	s8 =	sadd.s32 $0xFFFFE003, lr  }
0x1b: {  	s9 =	sadd.s32 $0xFFFFFEF7, lr;
	s5 =	simm.s32 $0xFFFFFFFF;
	p2 =	slt.u32 s8, $0xFFFFF086  }
0x1c: {  	p1 =	slt.u32 s9, $0xF7A;
	s5 =	simm.s32 @!p2 $0x0  }
0x1d: {  	s5 =	simm.s32 @p1 $0x1;
	p0 =	seq.s32 s7, s2  }
0x1e: {  	s7 =	smul.u32 @!p0 $0xF7A, s2;
	p2 =	seq.s32 @!p0 s5, $0x0  }
0x1f: {  	s9 =	smul.u32 $0xF7A, s1;
	s8 =	simm.s32 @!p0 $0x1BF5;
	p2 =	por !p2, p0  }
0x20: {  	[sflag:s8] =	ssyncset.s32 @!p0 $0xFFFFF086;
	s6 =	sadd.s32 @!p0 s3, s7;
	s7 =	simm.s32 @!p0 $0x108  }
0x21: {  	s3 =	sadd.s32 s3, s9;
	s6 =	sadd.s32 @!p0 $0x88, s6;
	s7 =	simm.s32 @p2 $0x1082  }
0x22: {  	[simem:s7], [sflag:s8] =	dma.local @!p0 [hbm:s6], $0xF7A  }
0x23: {  	s9 =	sor.u32 $0xD0000000, s2;
	s6 =	simm.s32 $0x108;
	_ =	swait.ge @!p0 [sflag:s8], $0x0  }
0x24: {  	s3 =	sadd.s32 $0x88, s3;
	s6 =	simm.s32 @!p1 $0x1082;
	[sflag:s4] =	ssyncset.s32 $0xFFFFF086  }
0x25: {  	[simem:s6], [sflag:s4] =	dma.local [hbm:s3], $0xF7A  }
0x26: {  	[smem:$0x3F8F] =	sst s1;
	(tag) =	ssettag s2;
	_ =	strace s9  }
0x27: {  	s1 =	sld [smem:$0x3F9F]  }
0x28: {  	s2 =	sld [smem:$0x3FA0]  }
0x29: {  	s4 =	sld [smem:$0x3FA2]  }
0x2a: {  	p0 =	seq.s32 s5, $0x0;
	s5 =	sld [smem:$0x3FA3]  }
0x2b: {  	s6 =	sld [smem:$0x3FA4]  }
0x2c: {  	s7 =	sld [smem:$0x3FA5]  }
0x2d: {  	s3 =	simm.s32 $0x108;
	s8 =	sld [smem:$0x3FA6]  }
0x2e: {  	s3 =	simm.s32 @!p0 $0x1082;
	s9 =	sld [smem:$0x3FA7]  }
0x2f: {  	lr =	sadd.s32 s0, s3;
	s0 =	sld [smem:$0x3F9E]  }
0x30: {  	s3 =	sld [smem:$0x3FA1]  }
0x31: {  	[smem:$0x3FAA] =	sst s10  }
0x32: {  	s10 =	sld [smem:$0x3FA8];
	_ =	sdelay $0x3  }
0x33: {  	p0 =	seq.s32 s10, $0x1;
	s10 =	sld [smem:$0x3FAA];
	_ =	sdelay $0x3  }
0x34: {  	[smem:$0x3FAA] =	sst s10  }
0x35: {  	s10 =	sld [smem:$0x3FA9];
	_ =	sdelay $0x3  }
0x36: {  	p1 =	seq.s32 s10, $0x1;
	s10 =	sld [smem:$0x3FAA];
	_ =	sdelay $0x3  }
0x37: {  	[smem:$0x3FAA] =	sst s10  }
0x38: {  	s10 =	sld [smem:$0x3FAB]  }
0x39: {  	_ = 	snop;
	(pc) =	sbr.ind lr, $3  }
0x3a: {  	_ = 	snop  }
0x3b: {  	_ = 	snop  }
0x3c: {  	p2 =	seq.s32 s10, $0x1;
	s10 =	sld [smem:$0x3FAA]  }
0x3d: {  	_ =	shalt  }
0x3e: {  	_ =	shalt  }
0x3f: {  	_ =	shalt  }
0x40: {  	_ =	shalt  }
0x41: {  	_ =	shalt  }
0x42: {  	_ =	shalt  }
0x43: {  	_ =	shalt  }
0x44: {  	_ =	shalt  }
0x45: {  	_ =	shalt  }
0x46: {  	_ =	shalt  }
0x47: {  	_ =	shalt  }
0x48: {  	_ =	shalt  }
0x49: {  	_ =	shalt  }
0x4a: {  	_ =	shalt  }
0x4b: {  	_ =	shalt  }
0x4c: {  	_ =	shalt  }
0x4d: {  	_ =	shalt  }
0x4e: {  	_ =	shalt  }
0x4f: {  	_ =	shalt  }
0x50: {  	_ =	shalt  }
0x51: {  	_ =	shalt  }
0x52: {  	_ =	shalt  }
0x53: {  	_ =	shalt  }
0x54: {  	_ =	shalt  }
0x55: {  	_ =	shalt  }
0x56: {  	_ =	shalt  }
0x57: {  	_ =	shalt  }
0x58: {  	_ =	shalt  }
0x59: {  	_ =	shalt  }
0x5a: {  	_ =	shalt  }
0x5b: {  	_ =	shalt  }
0x5c: {  	_ =	shalt  }
0x5d: {  	_ =	shalt  }
0x5e: {  	_ =	shalt  }
0x5f: {  	_ =	shalt  }
0x60: {  	_ =	shalt  }
0x61: {  	_ =	shalt  }
0x62: {  	_ =	shalt  }
0x63: {  	_ =	shalt  }
0x64: {  	_ =	shalt  }
0x65: {  	_ =	shalt  }
0x66: {  	_ =	shalt  }
0x67: {  	_ =	shalt  }
0x68: {  	_ =	shalt  }
0x69: {  	_ =	shalt  }
0x6a: {  	_ =	shalt  }
0x6b: {  	_ =	shalt  }
0x6c: {  	_ =	shalt  }
0x6d: {  	_ =	shalt  }
0x6e: {  	_ =	shalt  }
0x6f: {  	_ =	shalt  }
0x70: {  	_ =	shalt  }
0x71: {  	_ =	shalt  }
0x72: {  	_ =	shalt  }
0x73: {  	_ =	shalt  }
0x74: {  	_ =	shalt  }
0x75: {  	_ =	shalt  }
0x76: {  	_ =	shalt  }
0x77: {  	_ =	shalt  }
0x78: {  	_ =	shalt  }
0x79: {  	_ =	shalt  }
0x7a: {  	_ =	shalt  }
0x7b: {  	_ =	shalt  }
0x7c: {  	_ =	shalt  }
0x7d: {  	_ =	shalt  }
0x7e: {  	_ =	shalt  }
0x7f: {  	_ =	shalt  }
0x80: {  	_ =	shalt  }
0x81: {  	_ =	shalt  }
0x82: {  	_ =	shalt  }
0x83: {  	_ =	shalt  }
0x84: {  	_ =	shalt  }
0x85: {  	_ =	shalt  }
0x86: {  	_ =	shalt  }
0x87: {  	_ =	shalt  }
.Lfunc_end0:
.L_simem_size_0:
called_computation.3_lowered:
.L_overlay_start_0:
0x88: {  	s2 =	sld [smem:$0x3FD9]  }
0x89: {  	s3 =	sld [smem:$0x3FFE];
	_ =	sdelay $0x1  }
0x8a: {  	s1 =	srdreg.scid  }
0x8b: {  	s0 =	sand.u32 $0x1, s1  }
0x8c: {  	s17 =	sshll.u32 s0, $0xA;
	s2 =	sadd.s32 s3, s2  }
0x8d: {  	s2 =	sadd.s32 s2, s17  }
0x8e: {  	[smem:$0x3FB6] =	sst s2  }
0x8f: {  	_ = 	snop  }
0x90: {  	s2 =	sld [smem:$0x3FD0];
	(tm) =	ssettm $0x1  }
0x91: {  	s18 =	sld [smem:$0x3FFB];
	_ =	sdelay $0x3  }
0x92: {  	_ =	strace s18  }
0x93: {  	s3 =	sld [smem:$0x3FFC];
	_ =	sdelay $0x3  }
0x94: {  	_ =	strace s3  }
0x95: {  	s3 =	sld [smem:$0x3FFD];
	_ =	sdelay $0x3  }
0x96: {  	_ =	strace s3  }
0x97: {  	_ =	strace $0x8FFFFFFF  }
0x98: {  	s19 =	sld [smem:$0x3FDB];
	_ =	sdelay $0x1  }
0x99: {  	s4 =	simm.s32 $_scs_section_size  }
0x9a: {  	s5 =	simm.s32 $_size__tile_overlayer_lowered;
	s6 =	simm.s32 $_tile_overlayer_lowered  }
0x9b: {  	s22 =	simm.s32 $0x1BFF;
	s21 =	sshll.u32 s6, $0x1;
	s3 =	sadd.s32 s4, s19  }
0x9c: {  	s7 =	simm.s32 $0x0;
	s20 =	sshll.u32 s5, $0x1;
	s5 =	sadd.s32 s21, s3  }
0x9d: {  	[timem:s7], [sflag:s22] =	dma.local [hbm:s5], s20  }
0x9e: {  	_ =	swait.ge [sflag:s22], s20  }
0x9f: {  	s4 =	ssub.s32 $0x0, s20;
	[sflag:s22] =	ssyncset.done $0x0  }
0xa0: {  	[sflag:s22] =	ssyncadd.s32 s4;
	_ =	sdelay $0x1  }
0xa1: {  	s23 =	simm.s32 $0x1B8B  }
0xa2: {  	_ =	swait.ge [sflag:s23], $0x1  }
0xa3: {  	[sflag:s23] =	ssyncset.done $0x0  }
0xa4: {  	s25 =	simm.s32 $0x1B8E;
	s24 =	sld [smem:$0x3FFE];
	[sflag:s23] =	ssyncadd.s32 $0xFFFFFFFF  }
0xa5: {  	s26 =	simm.s32 $execute0_lowered;
	[smem:$0x3FD2] =	sst s25  }
0xa6: {  	s5 =	sshll.u32 s26, $0x1;
	_ =	strace $0x8000004F;
	[dreg:$0x1] =	wrdreg $0xFFFFFFFF  }
0xa7: {  	s28 =	simm.s32 $_size_execute0_lowered;
	s3 =	sadd.s32 s3, s5;
	[dreg:$0x0] =	wrdreg $0x0  }
0xa8: {  	s5 =	sshll.u32 s28, $0x1;
	[dreg:$0x2] =	wrdreg s3  }
0xa9: {  	[dreg:$0x3] =	wrdreg s5  }
0xaa: {  	[dreg:$0x4] =	wrdreg $0xC0  }
0xab: {  	_ =	task [dreg:s7], $0x5FFFF  }
0xac: {  	[dreg:$0x1] =	wrdreg $0xFFFFFFFF  }
0xad: {  	[dreg:$0x0] =	wrdreg $0x60  }
0xae: {  	[dreg:$0x2] =	wrdreg s24  }
0xaf: {  	[dreg:$0x3] =	wrdreg s2  }
0xb0: {  	[dreg:$0x4] =	wrdreg $0xB9000  }
0xb1: {  	[dreg:$0x5] =	wrdreg $0x9  }
0xb2: {  	_ =	task.clear_ibuf [dreg:s7], $0x6FFFF;
	_ =	strace $0x9000004F  }
0xb3: {  	s29 =	simm.s32 $0x9;
	_ =	strace $0x80000051  }
0xb4: {  	_ =	swait.ge [sflag:s29], $0x1  }
0xb5: {  	[sflag:s29] =	ssyncadd.s32 $0xFFFFFFFF  }
0xb6: {  	_ =	strace $0x90000051  }
0xb7: {  	_ =	sfence  }
0xb8: {  	s30 =	sld [smem:$0x0];
	_ =	sdelay $0x2  }
0xb9: {  	s31 =	sshll.u32 s1, $0xD;
	s1 =	sshrl.u32 s1, $0x2  }
0xba: {  	s3 =	sand.u32 $0x4000, s31;
	s1 =	sadd.s32 s1, s30  }
0xbb: {  	s0 =	sor.u32 s3, s0;
	s1 =	sshll.u32 s1, $0x11  }
0xbc: {  	s0 =	sor.u32 s1, s0  }
0xbd: {  	s0 =	sadd.s32 $0x8F2B, s0  }
0xbe: {  	[sflag:s0] =	ssyncadd.remote.s32 $0x1  }
0xbf: {  	_ =	sfence.sel $0xFFFF  }
0xc0: {  	[dreg:$0x0] =	wrdreg $0xFFFFFFFF;
	(pc) =	sbr.abs _section_cstart, $3  }
0xc1: {  	[dreg:$0x1] =	wrdreg $0xFFFFFFFF  }
0xc2: {  	_ =	task.clear_ibuf [dreg:s7], $0x2FFFF;
	_ =	strace $0x9FFFFFFF  }
0xc3: {  	(tm) =	ssettm $0x7FFFFFFF  }
tec
execute0_lowered:
.L_overlay_start_1:
0x0: {  	(tag) =	ssettag $0x1  }
0x1: {  	s0 =	rddreg [dreg:$0x0]  }
0x2: {  	s2 =	rddreg [dreg:$0x1]  }
0x3: {  	s1 =	rddreg [dreg:$0x2]  }
0x4: {  	s4 =	srdreg.scid;
	s3 =	simm.s32 $0x0;
	s11 =	stileid.u32  }
0x5: {  	s5 =	sand.u32 $0x1, s4;
	[smem:$0x7FF] =	sst s3;
	s7 =	smul.u32 $0x2800, s11  }
0x6: {  	s10 =	sadd.s32 $0x5400, s0;
	s12 =	sadd.s32 $0x4600, s0;
	s6 =	smul.u32 $0x28000, s5  }
0x7: {  	s4 =	sshll.u32 s5, $0x4;
	_ =	strace $0x80000050;
	s5 =	ssub.s32 $0x2, s5  }
0x8: {  	[dreg:$0x4] =	wrdreg s12;
	s8 =	sor.u32 s11, s4;
	s11 =	smul.u32 $0x50000, s11  }
0x9: {  	s4 =	sadd.s32 $0xF400, s0;
	s26 =	sshrl.u32 s5, $0x1;
	s9 =	smul.u32 $0x2800, s8  }
0xa: {  	s8 =	smul.u32 $0x500, s8;
	s6 =	sadd.s32 s7, s6;
	s5 =	ssub.s32 s5, s26  }
0xb: {  	s0 =	sadd.s32 s6, s0;
	s12 =	smax.u32 s5, $0x1;
	s24 =	sor.u32 $0x200, s6  }
0xc: {  	s2 =	sadd.s32 s2, s8;
	s8 =	sshrl.u32 s11, $0x2;
	[dreg:$0x7] =	wrdreg s12  }
0xd: {  	s0 =	sadd.s32 $0x36600, s0;
	[dreg:$0x5] =	wrdreg s2;
	s8 =	sadd.s32 s8, s1  }
0xe: {  	s25 =	sor.u32 $0x180, s6;
	[dreg:$0x6] =	wrdreg s0;
	s13 =	sadd.s32 $0x1000, s8  }
0xf: {  	s6 =	simm.s32 $0x100;
	s14 =	sadd.s32 $0x2000, s8;
	[dreg:$0x8] =	wrdreg s13  }
0x10: {  	s7 =	sshrl.u32 s9, $0x3;
	s15 =	sadd.s32 $0x3000, s8;
	[dreg:$0x9] =	wrdreg s14  }
0x11: {  	s9 =	sor.u32 $0x100, s9;
	s16 =	sadd.s32 $0x4000, s8;
	[dreg:$0xa] =	wrdreg s15  }
0x12: {  	s5 =	sshrl.u32 s25, $0x3;
	s17 =	sadd.s32 $0x5000, s8;
	[dreg:$0xb] =	wrdreg s16  }
0x13: {  	s12 =	simm.s32 $0xA900;
	s18 =	sadd.s32 $0x6000, s8;
	[dreg:$0xc] =	wrdreg s17  }
0x14: {  	s11 =	sadd.s32 s10, s7;
	s19 =	sadd.s32 $0x7000, s8;
	[dreg:$0xd] =	wrdreg s18  }
0x15: {  	s2 =	sshrl.u32 s9, $0x3;
	s20 =	sadd.s32 $0x8000, s8;
	[dreg:$0xe] =	wrdreg s19  }
0x16: {  	s0 =	sshrl.u32 s24, $0x3;
	s21 =	sadd.s32 $0x9000, s8;
	[dreg:$0xf] =	wrdreg s20  }
0x17: {  	s9 =	simm.s32 $0x5;
	s22 =	sadd.s32 $0xA000, s8;
	[dreg:$0x10] =	wrdreg s21  }
0x18: {  	s7 =	simm.s32 $0x1;
	s23 =	sadd.s32 $0xB000, s8;
	[dreg:$0x11] =	wrdreg s22  }
0x19: {  	s2 =	sadd.s32 s10, s2;
	s0 =	sadd.s32 s0, s10;
	[dreg:$0x12] =	wrdreg s23  }
0x1a: {  	s26 =	sadd.s32 $0xC000, s8;
	s28 =	sadd.s32 $0xE000, s8;
	[dreg:$0x13] =	wrdreg s2  }
0x1b: {  	s29 =	sadd.s32 $0xF000, s8;
	s30 =	sadd.s32 $0x10000, s8;
	[dreg:$0x14] =	wrdreg s0  }
0x1c: {  	s31 =	sadd.s32 $0x11000, s8;
	s18 =	sadd.s32 s5, s10;
	[dreg:$0x15] =	wrdreg s26  }
0x1d: {  	s26 =	sadd.s32 $0xD000, s8;
	s0 =	sadd.s32 $0x12000, s8;
	s2 =	sadd.s32 $0x13000, s8  }
0x1e: {  	s19 =	smov.u32 s11;
	s5 =	sadd.s32 $0x10, s11;
	s10 =	simm.s32 $0x80  }
0x1f: {  	s11 =	simm.s32 $0x2900;
	s13 =	simm.s32 $0x6900;
	s14 =	simm.s32 $0x2  }
0x20: {  	s15 =	simm.s32 $0x3;
	s16 =	simm.s32 $0x4;
	s17 =	simm.s32 $0x0  }
.LBB2_1:
0x21: {  	s20 =	rddreg [dreg:$0x5]  }
0x22: {  	[tilespmem:s6], [sflag:$0x5] =	stream.linear.gather [hbm4b:s20+s3], $0x2800, $0x38;
	[tilespmem:$0x1F900] =	vst v63  }
0x23: {  	_ =	swait.ge [sflag:s9], $0x2800  }
0x24: {  	[sflag:s9] =	ssyncset.done $0x0  }
0x25: {  	[sflag:s9] =	ssyncadd.s32 $0xFFFFD800  }
0x26: {  	[tilespmem:s3], [sflag:$0x5] =	stream.linear.gather [hbm4b:s19+s3], $0x80, $0x38;
	[tilespmem:$0x1F900] =	vst v63  }
0x27: {  	_ =	swait.ge [sflag:s9], $0x80  }
0x28: {  	[sflag:s9] =	ssyncset.done $0x0  }
0x29: {  	[sflag:s9] =	ssyncadd.s32 $0xFFFFFF80  }
0x2a: {  	[tilespmem:s11], [sflag:$0x1] =	stream.indirect.gather [hbm4b:s4+s10], $0x80, s3, s10, $0xb8;
	[tilespmem:$0x1F900] =	vst v63  }
0x2b: {  	s21 =	rddreg [dreg:$0x4]  }
0x2c: {  	[tilespmem:s12], [sflag:$0x5] =	stream.linear.gather [hbm4b:s21+s3], $0x1000, $0x38;
	[tilespmem:$0x1F900] =	vst v63  }
0x2d: {  	_ =	swait.ge [sflag:s9], $0x1000  }
0x2e: {  	[sflag:s9] =	ssyncset.done $0x0  }
0x2f: {  	[sflag:s9] =	ssyncadd.s32 $0xFFFFF000  }
0x30: {  	[spmem:s8] =	stream.linear.scatter [tilespmem:s12], [sflag:$0x5], $0x1000, $0x38;
	[tilespmem:$0x1F900] =	vst v63  }
0x31: {  	_ =	swait.ge [sflag:s9], $0x1000  }
0x32: {  	[sflag:s9] =	ssyncset.done $0x0  }
0x33: {  	s22 =	rddreg [dreg:$0x8];
	[sflag:s9] =	ssyncadd.s32 $0xFFFFF000  }
0x34: {  	[spmem:s22] =	stream.linear.scatter [tilespmem:s12], [sflag:$0x5], $0x1000, $0x38;
	[tilespmem:$0x1F900] =	vst v63  }
0x35: {  	_ =	swait.ge [sflag:s9], $0x1000  }
0x36: {  	[sflag:s9] =	ssyncset.done $0x0  }
0x37: {  	s23 =	rddreg [dreg:$0x9];
	[sflag:s9] =	ssyncadd.s32 $0xFFFFF000  }
0x38: {  	[spmem:s23] =	stream.linear.scatter [tilespmem:s12], [sflag:$0x5], $0x1000, $0x38;
	[tilespmem:$0x1F900] =	vst v63  }
0x39: {  	_ =	swait.ge [sflag:s9], $0x1000  }
0x3a: {  	[sflag:s9] =	ssyncset.done $0x0  }
0x3b: {  	s24 =	rddreg [dreg:$0xa];
	[sflag:s9] =	ssyncadd.s32 $0xFFFFF000  }
0x3c: {  	[spmem:s24] =	stream.linear.scatter [tilespmem:s12], [sflag:$0x5], $0x1000, $0x38;
	[tilespmem:$0x1F900] =	vst v63  }
0x3d: {  	_ =	swait.ge [sflag:s9], $0x1000  }
0x3e: {  	[sflag:s9] =	ssyncset.done $0x0  }
0x3f: {  	s25 =	rddreg [dreg:$0xb];
	[sflag:s9] =	ssyncadd.s32 $0xFFFFF000  }
0x40: {  	[spmem:s25] =	stream.linear.scatter [tilespmem:s12], [sflag:$0x5], $0x1000, $0x38;
	[tilespmem:$0x1F900] =	vst v63  }
0x41: {  	_ =	swait.ge [sflag:s9], $0x1000  }
0x42: {  	[sflag:s9] =	ssyncset.done $0x0  }
0x43: {  	s21 =	rddreg [dreg:$0xc];
	[sflag:s9] =	ssyncadd.s32 $0xFFFFF000  }
0x44: {  	[spmem:s21] =	stream.linear.scatter [tilespmem:s12], [sflag:$0x5], $0x1000, $0x38;
	[tilespmem:$0x1F900] =	vst v63  }
0x45: {  	_ =	swait.ge [sflag:s9], $0x1000  }
0x46: {  	[sflag:s9] =	ssyncset.done $0x0  }
0x47: {  	s22 =	rddreg [dreg:$0xd];
	[sflag:s9] =	ssyncadd.s32 $0xFFFFF000  }
0x48: {  	[spmem:s22] =	stream.linear.scatter [tilespmem:s12], [sflag:$0x5], $0x1000, $0x38;
	[tilespmem:$0x1F900] =	vst v63  }
0x49: {  	_ =	swait.ge [sflag:s9], $0x1000  }
0x4a: {  	[sflag:s9] =	ssyncset.done $0x0  }
0x4b: {  	s23 =	rddreg [dreg:$0xe];
	[sflag:s9] =	ssyncadd.s32 $0xFFFFF000  }
0x4c: {  	[spmem:s23] =	stream.linear.scatter [tilespmem:s12], [sflag:$0x5], $0x1000, $0x38;
	[tilespmem:$0x1F900] =	vst v63  }
0x4d: {  	_ =	swait.ge [sflag:s9], $0x1000  }
0x4e: {  	[sflag:s9] =	ssyncset.done $0x0  }
0x4f: {  	s24 =	rddreg [dreg:$0xf];
	[sflag:s9] =	ssyncadd.s32 $0xFFFFF000  }
0x50: {  	[spmem:s24] =	stream.linear.scatter [tilespmem:s12], [sflag:$0x5], $0x1000, $0x38;
	[tilespmem:$0x1F900] =	vst v63  }
0x51: {  	_ =	swait.ge [sflag:s9], $0x1000  }
0x52: {  	[sflag:s9] =	ssyncset.done $0x0  }
0x53: {  	s25 =	rddreg [dreg:$0x10];
	[sflag:s9] =	ssyncadd.s32 $0xFFFFF000  }
0x54: {  	[spmem:s25] =	stream.linear.scatter [tilespmem:s12], [sflag:$0x5], $0x1000, $0x38;
	[tilespmem:$0x1F900] =	vst v63  }
0x55: {  	_ =	swait.ge [sflag:s9], $0x1000  }
0x56: {  	[sflag:s9] =	ssyncset.done $0x0  }
0x57: {  	s21 =	rddreg [dreg:$0x11];
	[sflag:s9] =	ssyncadd.s32 $0xFFFFF000  }
0x58: {  	[spmem:s21] =	stream.linear.scatter [tilespmem:s12], [sflag:$0x5], $0x1000, $0x38;
	[tilespmem:$0x1F900] =	vst v63  }
0x59: {  	_ =	swait.ge [sflag:s9], $0x1000  }
0x5a: {  	[sflag:s9] =	ssyncset.done $0x0  }
0x5b: {  	s22 =	rddreg [dreg:$0x12];
	[sflag:s9] =	ssyncadd.s32 $0xFFFFF000  }
0x5c: {  	[spmem:s22] =	stream.linear.scatter [tilespmem:s12], [sflag:$0x5], $0x1000, $0x38;
	[tilespmem:$0x1F900] =	vst v63  }
0x5d: {  	_ =	swait.ge [sflag:s9], $0x1000  }
0x5e: {  	[sflag:s9] =	ssyncset.done $0x0  }
0x5f: {  	s23 =	rddreg [dreg:$0x15];
	[sflag:s9] =	ssyncadd.s32 $0xFFFFF000  }
0x60: {  	[spmem:s23] =	stream.linear.scatter [tilespmem:s12], [sflag:$0x5], $0x1000, $0x38;
	[tilespmem:$0x1F900] =	vst v63  }
0x61: {  	_ =	swait.ge [sflag:s9], $0x1000  }
0x62: {  	[sflag:s9] =	ssyncset.done $0x0  }
0x63: {  	[sflag:s9] =	ssyncadd.s32 $0xFFFFF000  }
0x64: {  	[spmem:s26] =	stream.linear.scatter [tilespmem:s12], [sflag:$0x5], $0x1000, $0x38;
	[tilespmem:$0x1F900] =	vst v63  }
0x65: {  	_ =	swait.ge [sflag:s9], $0x1000  }
0x66: {  	[sflag:s9] =	ssyncset.done $0x0  }
0x67: {  	[sflag:s9] =	ssyncadd.s32 $0xFFFFF000  }
0x68: {  	[spmem:s28] =	stream.linear.scatter [tilespmem:s12], [sflag:$0x5], $0x1000, $0x38;
	[tilespmem:$0x1F900] =	vst v63  }
0x69: {  	_ =	swait.ge [sflag:s9], $0x1000  }
0x6a: {  	[sflag:s9] =	ssyncset.done $0x0  }
0x6b: {  	[sflag:s9] =	ssyncadd.s32 $0xFFFFF000  }
0x6c: {  	[spmem:s29] =	stream.linear.scatter [tilespmem:s12], [sflag:$0x5], $0x1000, $0x38;
	[tilespmem:$0x1F900] =	vst v63  }
0x6d: {  	_ =	swait.ge [sflag:s9], $0x1000  }
0x6e: {  	[sflag:s9] =	ssyncset.done $0x0  }
0x6f: {  	[sflag:s9] =	ssyncadd.s32 $0xFFFFF000  }
0x70: {  	[spmem:s30] =	stream.linear.scatter [tilespmem:s12], [sflag:$0x5], $0x1000, $0x38;
	[tilespmem:$0x1F900] =	vst v63  }
0x71: {  	_ =	swait.ge [sflag:s9], $0x1000  }
0x72: {  	[sflag:s9] =	ssyncset.done $0x0  }
0x73: {  	[sflag:s9] =	ssyncadd.s32 $0xFFFFF000  }
0x74: {  	[spmem:s31] =	stream.linear.scatter [tilespmem:s12], [sflag:$0x5], $0x1000, $0x38;
	[tilespmem:$0x1F900] =	vst v63  }
0x75: {  	_ =	swait.ge [sflag:s9], $0x1000  }
0x76: {  	[sflag:s9] =	ssyncset.done $0x0  }
0x77: {  	[sflag:s9] =	ssyncadd.s32 $0xFFFFF000  }
0x78: {  	[spmem:s0] =	stream.linear.scatter [tilespmem:s12], [sflag:$0x5], $0x1000, $0x38;
	[tilespmem:$0x1F900] =	vst v63  }
0x79: {  	_ =	swait.ge [sflag:s9], $0x1000  }
0x7a: {  	[sflag:s9] =	ssyncset.done $0x0  }
0x7b: {  	[sflag:s9] =	ssyncadd.s32 $0xFFFFF000  }
0x7c: {  	[spmem:s2] =	stream.linear.scatter [tilespmem:s12], [sflag:$0x5], $0x1000, $0x38;
	[tilespmem:$0x1F900] =	vst v63  }
0x7d: {  	_ =	swait.ge [sflag:s9], $0x1000  }
0x7e: {  	[sflag:s9] =	ssyncset.done $0x0  }
0x7f: {  	[sflag:s9] =	ssyncadd.s32 $0xFFFFF000  }
0x80: {  	[bflag:$0x0] =	sbarrier.arrive $0xFFFF  }
0x81: {  	[tilespmem:s10], [sflag:$0x5] =	stream.linear.gather [hbm4b:s5+s3], $0x80, $0x38;
	[tilespmem:$0x1F900] =	vst v63  }
0x82: {  	_ =	swait.ge [sflag:s9], $0x80  }
0x83: {  	[sflag:s9] =	ssyncset.done $0x0  }
0x84: {  	[sflag:s9] =	ssyncadd.s32 $0xFFFFFF80  }
0x85: {  	[tilespmem:s13], [sflag:$0x2] =	stream.indirect.gather [hbm4b:s4+s10], $0x80, s10, s10, $0xb8;
	[tilespmem:$0x1F900] =	vst v63  }
0x86: {  	_ =	swait.ge [sflag:s7], $0x4000  }
0x87: {  	[sflag:s7] =	ssyncset.done $0x0  }
0x88: {  	[sflag:s7] =	ssyncadd.s32 $0xFFFFC000  }
0x89: {  	[spmem:s1] =	stream.indirect.scatter.add.f32 [tilespmem:s11], [sflag:$0x3], $0x80, s6, s10, $0xb8;
	[tilespmem:$0x1F900] =	vst v63  }
0x8a: {  	_ =	swait.ge [sflag:s14], $0x4000  }
0x8b: {  	[sflag:s14] =	ssyncset.done $0x0  }
0x8c: {  	s24 =	simm.s32 $0x180;
	[sflag:s14] =	ssyncadd.s32 $0xFFFFC000  }
0x8d: {  	[spmem:s1] =	stream.indirect.scatter.add.f32 [tilespmem:s13], [sflag:$0x4], $0x80, s24, s10, $0xb8;
	[tilespmem:$0x1F900] =	vst v63  }
0x8e: {  	_ =	swait.ge [sflag:s15], $0x4000  }
0x8f: {  	[sflag:s15] =	ssyncset.done $0x0  }
0x90: {  	s25 =	rddreg [dreg:$0x13];
	[sflag:s15] =	ssyncadd.s32 $0xFFFFC000  }
0x91: {  	[tilespmem:s3], [sflag:$0x5] =	stream.linear.gather [hbm4b:s25+s3], $0x80, $0x38;
	[tilespmem:$0x1F900] =	vst v63  }
0x92: {  	_ =	swait.ge [sflag:s9], $0x80  }
0x93: {  	s20 =	simm.s32 $0x0;
	[sflag:s9] =	ssyncset.done $0x0  }
0x94: {  	s24 =	smov.u32 s18;
	s23 =	rddreg [dreg:$0x14];
	[sflag:s9] =	ssyncadd.s32 $0xFFFFFF80  }
0x95: {  	[tilespmem:s11], [sflag:$0x1] =	stream.indirect.gather [hbm4b:s4+s10], $0x80, s3, s10, $0xb8;
	[tilespmem:$0x1F900] =	vst v63  }
.LBB2_2:
0x96: {  	_ =	swait.ge [sflag:s16], $0x4000  }
0x97: {  	[sflag:s16] =	ssyncset.done $0x0  }
0x98: {  	[sflag:s16] =	ssyncadd.s32 $0xFFFFC000  }
0x99: {  	[tilespmem:s10], [sflag:$0x5] =	stream.linear.gather [hbm4b:s24+s3], $0x80, $0x38;
	[tilespmem:$0x1F900] =	vst v63  }
0x9a: {  	_ =	swait.ge [sflag:s9], $0x80  }
0x9b: {  	[sflag:s9] =	ssyncset.done $0x0  }
0x9c: {  	[sflag:s9] =	ssyncadd.s32 $0xFFFFFF80  }
0x9d: {  	[tilespmem:s13], [sflag:$0x2] =	stream.indirect.gather [hbm4b:s4+s10], $0x80, s10, s10, $0xb8;
	[tilespmem:$0x1F900] =	vst v63  }
0x9e: {  	_ =	swait.ge [sflag:s7], $0x4000  }
0x9f: {  	s21 =	sshra.s32 s20, $0x2;
	[sflag:s7] =	ssyncset.done $0x0  }
0xa0: {  	s22 =	sadd.s32 $0x200, s21;
	[sflag:s7] =	ssyncadd.s32 $0xFFFFC000  }
0xa1: {  	[spmem:s1] =	stream.indirect.scatter.add.f32 [tilespmem:s11], [sflag:$0x3], $0x80, s22, s10, $0xb8;
	[tilespmem:$0x1F900] =	vst v63  }
0xa2: {  	_ =	swait.ge [sflag:s14], $0x4000  }
0xa3: {  	[sflag:s14] =	ssyncset.done $0x0  }
0xa4: {  	p0 =	seq.s32 s20, $0x9800;
	s21 =	sadd.s32 $0x280, s21;
	[sflag:s14] =	ssyncadd.s32 $0xFFFFC000  }
0xa5: {  	[spmem:s1] =	stream.indirect.scatter.add.f32 [tilespmem:s13], [sflag:$0x4], $0x80, s21, s10, $0xb8;
	[tilespmem:$0x1F900] =	vst v63  }
0xa6: {  	s21 =	simm.s32 @!p0 $0x3  }
0xa7: {  	s20 =	sadd.s32 @!p0 $0x400, s20;
	_ =	swait.ge @!p0 [sflag:s21], $0x4000  }
0xa8: {  	p1 =	sne.s32 @!p0 s20, $0x9C00;
	[sflag:s21] =	ssyncset.done @!p0 $0x0  }
0xa9: {  	p1 =	por p0, !p1;
	[sflag:s21] =	ssyncadd.s32 @!p0 $0xFFFFC000;
	s21 =	simm.s32 @!p0 $0x0  }
0xaa: {  	[tilespmem:s21], [sflag:$0x5] =	stream.linear.gather @!p0 [hbm4b:s23+s21], $0x80, $0x38;
	[tilespmem:$0x1F900] =	vst v63  }
.Ltmp0:
0xab: {  	s22 =	simm.s32 @!p0 $0x5;
	(pc) =	sbr.rel @!p1 .LBB2_2-.Ltmp0, $4  }
0xac: {  	_ =	swait.ge @!p0 [sflag:s22], $0x80  }
0xad: {  	s25 =	simm.s32 @!p0 $0x2900;
	s24 =	sadd.s32 @!p0 $0x20, s24;
	[sflag:s22] =	ssyncset.done @!p0 $0x0  }
0xae: {  	s23 =	sadd.s32 @!p0 $0x20, s23;
	[sflag:s22] =	ssyncadd.s32 @!p0 $0xFFFFFF80;
	s22 =	simm.s32 @!p0 $0x80  }
0xaf: {  	[tilespmem:s25], [sflag:$0x1] =	stream.indirect.gather @!p0 [hbm4b:s4+s22], $0x80, s21, s22, $0xb8;
	[tilespmem:$0x1F900] =	vst v63  }
0xb0: {  	_ =	swait.ge [sflag:s15], $0x4000  }
0xb1: {  	[sflag:s15] =	ssyncset.done $0x0  }
0xb2: {  	[sflag:s15] =	ssyncadd.s32 $0xFFFFC000  }
0xb3: {  	_ =	swait.ge [sflag:s16], $0x4000  }
0xb4: {  	[sflag:s16] =	ssyncset.done $0x0  }
0xb5: {  	s20 =	stileid.u32;
	[sflag:s16] =	ssyncadd.s32 $0xFFFFC000  }
0xb6: {  	s20 =	sshll.u32 s20, $0x6;
	[bflag:$0x0] =	sbarrier.arrive $0xFFFF  }
0xb7: {  	s21 =	sshrl.u32 s8, $0x3;
	s20 =	sor.u32 $0x1C05, s20;
	s22 =	rddreg [dreg:$0x6]  }
0xb8: {  	[hbm:s22], [sflag:s20] =	dma.local [spmem:s21], $0x2800  }
0xb9: {  	_ =	swait.ge [sflag:s9], $0x2800  }
0xba: {  	s17 =	sadd.s32 $0x1, s17;
	s25 =	rddreg [dreg:$0x7]  }
0xbb: {  	p0 =	sne.s32 s17, s25  }
.Ltmp1:
0xbc: {  	_ = 	snop;
	(pc) =	sbr.rel @p0 .LBB2_1-.Ltmp1, $3  }
0xbd: {  	_ =	sdelay $0x1  }
0xbe: {  	[sflag:s9] =	ssyncset.done $0x0  }
0xbf: {  	[sflag:s9] =	ssyncadd.s32 $0xFFFFD800  }
0xc0: {  	_ =	sfence.sel $0x180000  }
0xc1: {  	[bflag:$0x0] =	sbarrier.arrive $0xFFFF  }
0xc2: {  	_ =	strace $0x90000050  }
0xc3: {  	s0 =	stileid.u32;
	[bflag:$0x2] =	sbarrier.arrive $0xFFFF  }
0xc4: {  	p0 =	sne.s32 s0, $0x0;
	s0 =	rddreg [dreg:$0x3]  }
0xc5: {  	s0 =	sadd.s32 @!p0 $0x100000, s0  }
0xc6: {  	[sflag:s0] =	ssyncadd.tile.s32 @!p0 $0x1;
	_ =	shalt  }
.Lfunc_end2:
_tile_overlayer_lowered:
.L_overlay_start_2:
0xc7: {  	(tag) =	ssettag $0x2  }
0xc8: {  	s0 =	rddreg [dreg:$0x0];
	s2 =	stileid.u32  }
0xc9: {  	s1 =	rddreg [dreg:$0x1];
	p0 =	sne.s32 s2, $0x0  }
0xca: {  	s3 =	rddreg [dreg:$0x2];
	[bflag:$0x3] =	sbarrier.arrive $0xFFFF;
	s2 =	simm.s32 @!p0 $0x1C05  }
0xcb: {  	[timem:s3], [sflag:s2] =	dma.local @!p0 [hbm:s0], s1  }
0xcc: {  	s0 =	simm.s32 @!p0 $0x5  }
0xcd: {  	_ =	swait.ge @!p0 [sflag:s0], s1  }
0xce: {  	s1 =	ssub.s32 @!p0 $0x0, s1;
	[sflag:s0] =	ssyncset.done @!p0 $0x0  }
0xcf: {  	[sflag:s0] =	ssyncadd.s32 @!p0 s1  }
0xd0: {  	[bflag:$0x3] =	sbarrier.arrive $0xFFFF  }
0xd1: {  	_ =	shalt  }

</sc_bundles>
